<compile_context>
chip_gen: v7x
topology: tpu7x:2x2x1
jax: 0.10.2.dev20260603
libtpu: 0.0.44.dev20260713+nightly
codegen_flags: <defaults>
</compile_context>

<pallas_src>
import functools

import jax
import jax.numpy as jnp
from jax import lax
from jax.experimental import pallas as pl
from jax.experimental.pallas import tpu as pltpu
from jax.experimental.pallas import tpu_sc as plsc

N = 10000
E = 320000
D = 128
DO = 48
DEG_W = 16

NC, NS = 2, 16
NW = NC * NS
N_PAD = 10240
RPT = N_PAD // NS
CH = 128
N_CHUNKS = E // CH
TRIP = 80
PAIRS = TRIP // 2
BUF = TRIP + 2
EROWS = 2688

_mesh = plsc.VectorSubcoreMesh(
    core_axis_name="c", subcore_axis_name="s", num_cores=NC, num_subcores=NS
)


def _make_agg(d, preload_src=False):

  src_shape = (BUF, CH) if preload_src else (CH,)

  @functools.partial(
      pl.kernel,
      out_type=jax.ShapeDtypeStruct((NC, N_PAD, d), jnp.float32),
      mesh=_mesh,
      scratch_types=[
          pltpu.VMEM((TRIP, CH), jnp.int32),
          pltpu.VMEM(src_shape, jnp.int32),
          pltpu.VMEM((CH,), jnp.int32),
          pltpu.VMEM((CH, d), jnp.float32),
          pltpu.VMEM((CH, d), jnp.float32),
          pltpu.VMEM_SHARED((N_PAD, d), jnp.float32),
          pltpu.SemaphoreType.DMA,
          pltpu.SemaphoreType.DMA,
          pltpu.SemaphoreType.DMA,
          pltpu.SemaphoreType.DMA,
          pltpu.SemaphoreType.DMA,
          pltpu.SemaphoreType.DMA,
      ],
      name=f"sage_agg{d}",
      compiler_params=pltpu.CompilerParams(use_tc_tiling_on_sc=False),
  )
  def agg(g_hbm, src_hbm, dst_hbm, zero_hbm, out_hbm,
          dst_all, src_a, src_b, rows_a, rows_b, acc_sh,
          gsa, gsb, ssa, ssb, sca, scb):
    c = lax.axis_index("c")
    s = lax.axis_index("s")
    w = s * NC + c
    r0 = s * RPT
    row0 = w * TRIP
    pltpu.sync_copy(zero_hbm.at[pl.ds(r0, RPT)], acc_sh.at[pl.ds(r0, RPT)])
    pltpu.sync_copy(dst_hbm.at[pl.ds(row0, TRIP)], dst_all)
    if preload_src:
      pltpu.sync_copy(src_hbm.at[pl.ds(row0, BUF)], src_a)
    plsc.subcore_barrier()

    def src_copy(k, buf, sem):
      return pltpu.async_copy(src_hbm.at[row0 + k], buf, sem)

    def gather(buf, rows, sem):
      return pltpu.async_copy(g_hbm.at[buf], rows, sem)

    def scat(rows, k):
      pltpu.sync_copy(rows, acc_sh.at[dst_all.at[k]], add=True)

    if preload_src:
      gather(src_a.at[0], rows_a, gsa)

      def body(j, carry):
        k0 = 2 * j
        gather(src_a.at[k0 + 1], rows_b, gsb)
        pltpu.make_async_copy(g_hbm.at[src_b], rows_a, gsa).wait()
        scat(rows_a, k0)
        gather(src_a.at[k0 + 2], rows_a, gsa)
        pltpu.make_async_copy(g_hbm.at[src_b], rows_b, gsb).wait()
        scat(rows_b, k0 + 1)
        return carry

      lax.fori_loop(0, PAIRS, body, 0)
      pltpu.make_async_copy(g_hbm.at[src_b], rows_a, gsa).wait()
    else:
      src_copy(0, src_a, ssa).wait()
      src_copy(1, src_b, ssb)
      gather(src_a, rows_a, gsa)

      def body(j, carry):
        k0 = 2 * j
        pltpu.make_async_copy(src_hbm.at[row0], src_b, ssb).wait()
        gather(src_b, rows_b, gsb)
        pltpu.make_async_copy(g_hbm.at[src_a], rows_a, gsa).wait()
        src_copy(k0 + 2, src_a, ssa)
        scat(rows_a, k0)
        pltpu.make_async_copy(src_hbm.at[row0], src_a, ssa).wait()
        gather(src_a, rows_a, gsa)
        pltpu.make_async_copy(g_hbm.at[src_b], rows_b, gsb).wait()
        src_copy(k0 + 3, src_b, ssb)
        scat(rows_b, k0 + 1)
        return carry

      lax.fori_loop(0, PAIRS, body, 0)
      pltpu.make_async_copy(g_hbm.at[src_a], rows_a, gsa).wait()
      pltpu.make_async_copy(src_hbm.at[row0], src_b, ssb).wait()
    plsc.subcore_barrier()
    pltpu.sync_copy(acc_sh.at[pl.ds(r0, RPT)], out_hbm.at[c, pl.ds(r0, RPT)])

  return agg


@functools.partial(
    pl.kernel,
    out_type=jax.ShapeDtypeStruct((NC, N_PAD, DEG_W), jnp.float32),
    mesh=_mesh,
    scratch_types=[
        pltpu.VMEM((TRIP, CH), jnp.int32),
        pltpu.VMEM((CH, DEG_W), jnp.float32),
        pltpu.VMEM_SHARED((N_PAD, DEG_W), jnp.float32),
    ],
    name="sage_deg",
    compiler_params=pltpu.CompilerParams(use_tc_tiling_on_sc=False),
)
def _deg(dst_hbm, zero_hbm, ones_hbm, out_hbm, dst_all, ones_v, acc_sh):
  c = lax.axis_index("c")
  s = lax.axis_index("s")
  w = s * NC + c
  r0 = s * RPT
  pltpu.sync_copy(zero_hbm.at[pl.ds(r0, RPT)], acc_sh.at[pl.ds(r0, RPT)])
  pltpu.sync_copy(ones_hbm, ones_v)
  pltpu.sync_copy(dst_hbm.at[pl.ds(w * TRIP, TRIP)], dst_all)
  plsc.subcore_barrier()

  def body(k, carry):
    pltpu.sync_copy(ones_v, acc_sh.at[dst_all.at[k]], add=True)
    return carry

  lax.fori_loop(0, TRIP, body, 0)
  plsc.subcore_barrier()
  pltpu.sync_copy(acc_sh.at[pl.ds(r0, RPT)], out_hbm.at[c, pl.ds(r0, RPT)])


_agg128 = _make_agg(D)
_agg48 = _make_agg(DO, preload_src=True)

R = 2000
GRID = N // R


def _mm_in_body(x_ref, ws_ref, wn_ref, b_ref, s_ref, g_ref):
  x = x_ref[...]
  s_ref[...] = jnp.dot(x, ws_ref[...], preferred_element_type=jnp.float32) + b_ref[...]
  g_ref[...] = jnp.dot(x, wn_ref[...], preferred_element_type=jnp.float32)


def _comb_body(s_ref, p_ref, d_ref, ws_ref, wn_ref, b_ref, so_ref, go_ref):
  p = p_ref[0] + p_ref[1]
  deg = d_ref[0, :, :1] + d_ref[1, :, :1]
  inv = 1.0 / jnp.maximum(deg, 1.0)
  h = jnp.maximum(s_ref[...] + p * inv, 0.0)
  so_ref[...] = jnp.dot(h, ws_ref[...], preferred_element_type=jnp.float32) + b_ref[...]
  go_ref[...] = jnp.dot(h, wn_ref[...], preferred_element_type=jnp.float32)


def _final_body(s_ref, p_ref, d_ref, o_ref):
  p = p_ref[0] + p_ref[1]
  deg = d_ref[0, :, :1] + d_ref[1, :, :1]
  inv = 1.0 / jnp.maximum(deg, 1.0)
  z = s_ref[...] + p * inv
  valid = lax.broadcasted_iota(jnp.int32, z.shape, 1) < 40
  zm = jnp.where(valid, z, -jnp.inf)
  m = jnp.max(zm, axis=1, keepdims=True)
  e = jnp.where(valid, jnp.exp(z - m), 0.0)
  lse = jnp.log(jnp.sum(e, axis=1, keepdims=True)) + m
  o_ref[...] = (z - lse)[:, :40]


def _row_spec(d):
  return pl.BlockSpec((R, d), lambda i: (i, 0))


def _part_spec(d):
  return pl.BlockSpec((NC, R, d), lambda i: (0, i, 0))


def _full_spec(a, b):
  return pl.BlockSpec((a, b), lambda i: (0, 0))


_mm_in = pl.pallas_call(
    _mm_in_body,
    grid=(GRID,),
    in_specs=[_row_spec(D), _full_spec(D, D), _full_spec(D, D), _full_spec(1, D)],
    out_specs=[_row_spec(D), _row_spec(D)],
    out_shape=[jax.ShapeDtypeStruct((N, D), jnp.float32)] * 2,
)

_comb1 = pl.pallas_call(
    _comb_body,
    grid=(GRID,),
    in_specs=[_row_spec(D), _part_spec(D), _part_spec(DEG_W),
              _full_spec(D, D), _full_spec(D, D), _full_spec(1, D)],
    out_specs=[_row_spec(D), _row_spec(D)],
    out_shape=[jax.ShapeDtypeStruct((N, D), jnp.float32)] * 2,
)

_comb2 = pl.pallas_call(
    _comb_body,
    grid=(GRID,),
    in_specs=[_row_spec(D), _part_spec(D), _part_spec(DEG_W),
              _full_spec(D, DO), _full_spec(D, DO), _full_spec(1, DO)],
    out_specs=[_row_spec(DO), _row_spec(DO)],
    out_shape=[jax.ShapeDtypeStruct((N, DO), jnp.float32)] * 2,
)

_final = pl.pallas_call(
    _final_body,
    grid=(GRID,),
    in_specs=[_row_spec(DO), _part_spec(DO), _part_spec(DEG_W)],
    out_specs=pl.BlockSpec((R, 40), lambda i: (i, 0)),
    out_shape=jax.ShapeDtypeStruct((N, 40), jnp.float32),
)


def kernel(x, edge_index, W_self0, W_neigh0, b0,
           W_self1, W_neigh1, b1, W_self2, W_neigh2, b2):
  src = edge_index[0].astype(jnp.int32)
  dst = edge_index[1].astype(jnp.int32)
  n_dummy = EROWS * CH - E
  dummy_src = jnp.arange(n_dummy, dtype=jnp.int32) % N
  dummy_dst = jnp.arange(n_dummy, dtype=jnp.int32) % (N_PAD - N) + N
  src2 = jnp.concatenate([src, dummy_src]).reshape(EROWS, CH)
  dst2 = jnp.concatenate([dst, dummy_dst]).reshape(EROWS, CH)
  zeros128 = jnp.zeros((N_PAD, D), jnp.float32)
  zeros48 = jnp.zeros((N_PAD, DO), jnp.float32)
  zeros16 = jnp.zeros((N_PAD, DEG_W), jnp.float32)
  ones16 = jnp.ones((CH, DEG_W), jnp.float32)

  deg = _deg(dst2, zeros16, ones16)
  s0, g0 = _mm_in(x, W_self0, W_neigh0, b0[None])
  p0 = _agg128(g0, src2, dst2, zeros128)
  s1, g1 = _comb1(s0, p0, deg, W_self1, W_neigh1, b1[None])
  p1 = _agg128(g1, src2, dst2, zeros128)
  ws2 = jnp.pad(W_self2, ((0, 0), (0, DO - 40)))
  wn2 = jnp.pad(W_neigh2, ((0, 0), (0, DO - 40)))
  b2p = jnp.pad(b2, (0, DO - 40))
  s2, g2 = _comb2(s1, p1, deg, ws2, wn2, b2p[None])
  p2 = _agg48(g2, src2, dst2, zeros48)
  return _final(s2, p2, deg)

# --- scband reference (transcript-rebuilt; emitter-appended) ---
"""Pipeline reference for scband-graph-sage-90202903150833 (READ-ONLY COPY).

The authoritative reference and input builder live on the scoring server;
editing this copy changes nothing except your own understanding.
"""

import jax, jax.numpy as jnp
import numpy as np

N = 10000
E = 320000
D_IN = 128
D_HID = 128
D_OUT = 40


def _glorot(key, fan_in, fan_out):
    scale = 1.0 / np.sqrt(fan_in)
    return jax.random.uniform(key, (fan_in, fan_out), dtype=jnp.float32, minval=-scale, maxval=scale)


def setup_inputs(seed: int = 0) -> dict:
    key = jax.random.key(seed)
    ks = jax.random.split(key, 12)
    x = jax.random.normal(ks[0], (N, D_IN), dtype=jnp.float32)
    edge_index = jax.random.randint(ks[1], (2, E), 0, N, dtype=jnp.int32).astype(jnp.int64)
    dims = [(D_IN, D_HID), (D_HID, D_HID), (D_HID, D_OUT)]
    inp = {"x": x, "edge_index": edge_index}
    kidx = 2
    for i, (fi, fo) in enumerate(dims):
        inp[f"W_self{i}"] = _glorot(ks[kidx], fi, fo); kidx += 1
        inp[f"W_neigh{i}"] = _glorot(ks[kidx], fi, fo); kidx += 1
        inp[f"b{i}"] = jnp.zeros((fo,), dtype=jnp.float32)
    return inp


def _sage_layer(h, edge_index, W_self, W_neigh, b):
    src = edge_index[0]
    dst = edge_index[1]
    msg = jnp.take(h, src, axis=0)
    agg = jax.ops.segment_sum(msg, dst, num_segments=N)
    deg = jax.ops.segment_sum(jnp.ones((edge_index.shape[1],), h.dtype), dst, num_segments=N)
    h_neigh = agg / jnp.maximum(deg, 1.0)[:, None]
    return h @ W_self + h_neigh @ W_neigh + b


def reference(x, edge_index, W_self0, W_neigh0, b0, W_self1, W_neigh1, b1, W_self2, W_neigh2, b2):
    h = _sage_layer(x, edge_index, W_self0, W_neigh0, b0)
    h = jax.nn.relu(h)
    # dropout p=0.0 -> identity
    h = _sage_layer(h, edge_index, W_self1, W_neigh1, b1)
    h = jax.nn.relu(h)
    h = _sage_layer(h, edge_index, W_self2, W_neigh2, b2)
    return jax.nn.log_softmax(h, axis=-1)

if __name__ == "__main__":
    import jax
    _d = setup_inputs()
    print(jax.jit(kernel)(*tuple(_d.values())))

</pallas_src>

<mosaic_0001>
#map = affine_map<(d0, d1) -> (0, 0)>
#map1 = affine_map<(d0, d1) -> (0, 0, 0)>
module attributes {stable_mosaic.version = 14 : i64} {
  func.func @sage_deg(%arg0: i32, %arg1: i32, %arg2: memref<2688x128xi32, #tpu.memory_space<hbm>>, %arg3: memref<10240x16xf32, #tpu.memory_space<hbm>>, %arg4: memref<128x16xf32, #tpu.memory_space<hbm>>, %arg5: memref<2x10240x16xf32, #tpu.memory_space<hbm>>, %arg6: memref<80x128xi32, #tpu.memory_space<vmem>>, %arg7: memref<128x16xf32, #tpu.memory_space<vmem>>, %arg8: memref<10240x16xf32, #tpu.memory_space<vmem_shared>>) attributes {dimension_semantics = [#tpu.dimension_semantics<core_parallel>, #tpu.dimension_semantics<subcore_parallel>], iteration_bounds = array<i64: 2, 16>, scalar_prefetch = 0 : i64, scratch_operands = 3 : i64, tpu.core_type = #tpu.core_type<sc_vector_subcore>, window_params = [{transform_indices = #map}, {transform_indices = #map}, {transform_indices = #map}, {transform_indices = #map1}]} {
    %mul3A = arith.constant 2 : i32
    %mul3A_0 = arith.muli %arg1, %mul3A : i32
    %add3A = arith.addi %mul3A_0, %arg0 : i32
    %mul3A_1 = arith.constant 640 : i32
    %mul3A_2 = arith.muli %arg1, %mul3A_1 : i32
    "tpu.region"() ({
      %run_scoped3A = tpu.sem_alloc : memref<!tpu.dma_semaphore, #tpu.memory_space<semaphore_mem>>
      %dma_start3A = arith.constant 0 : i32
      %dma_start3A_11 = tpu.memref_slice %arg8[%mul3A_2, %dma_start3A] : memref<10240x16xf32, #tpu.memory_space<vmem_shared>> -> memref<640x16xf32, #tpu.memory_space<vmem_shared>>
      %dma_start3A_12 = arith.constant 0 : i32
      %dma_start3A_13 = tpu.memref_slice %arg3[%mul3A_2, %dma_start3A_12] : memref<10240x16xf32, #tpu.memory_space<hbm>> -> memref<640x16xf32, #tpu.memory_space<hbm>>
      tpu.enqueue_dma source(%dma_start3A_13 : memref<640x16xf32, #tpu.memory_space<hbm>>) target(%dma_start3A_11 : memref<640x16xf32, #tpu.memory_space<vmem_shared>>) target_semaphore(%run_scoped3A : memref<!tpu.dma_semaphore, #tpu.memory_space<semaphore_mem>>)
      %dma_wait3A = arith.constant 0 : i32
      %dma_wait3A_14 = tpu.memref_slice %arg8[%mul3A_2, %dma_wait3A] : memref<10240x16xf32, #tpu.memory_space<vmem_shared>> -> memref<640x16xf32, #tpu.memory_space<vmem_shared>>
      %dma_wait3A_15 = arith.constant 0 : i32
      %dma_wait3A_16 = tpu.memref_slice %arg3[%mul3A_2, %dma_wait3A_15] : memref<10240x16xf32, #tpu.memory_space<hbm>> -> memref<640x16xf32, #tpu.memory_space<hbm>>
      tpu.wait_dma2 semaphore(%run_scoped3A : memref<!tpu.dma_semaphore, #tpu.memory_space<semaphore_mem>>) src(%dma_wait3A_16 : memref<640x16xf32, #tpu.memory_space<hbm>>) dst(%dma_wait3A_14 : memref<640x16xf32, #tpu.memory_space<vmem_shared>>)
      tpu.yield
    }) : () -> ()
    "tpu.region"() ({
      %run_scoped3A = tpu.sem_alloc : memref<!tpu.dma_semaphore, #tpu.memory_space<semaphore_mem>>
      tpu.enqueue_dma source(%arg4 : memref<128x16xf32, #tpu.memory_space<hbm>>) target(%arg7 : memref<128x16xf32, #tpu.memory_space<vmem>>) target_semaphore(%run_scoped3A : memref<!tpu.dma_semaphore, #tpu.memory_space<semaphore_mem>>)
      tpu.wait_dma2 semaphore(%run_scoped3A : memref<!tpu.dma_semaphore, #tpu.memory_space<semaphore_mem>>) src(%arg4 : memref<128x16xf32, #tpu.memory_space<hbm>>) dst(%arg7 : memref<128x16xf32, #tpu.memory_space<vmem>>)
      tpu.yield
    }) : () -> ()
    %mul3A_3 = arith.constant 80 : i32
    %mul3A_4 = arith.muli %add3A, %mul3A_3 : i32
    "tpu.region"() ({
      %run_scoped3A = tpu.sem_alloc : memref<!tpu.dma_semaphore, #tpu.memory_space<semaphore_mem>>
      %dma_start3A = arith.constant 0 : i32
      %dma_start3A_11 = tpu.memref_slice %arg2[%mul3A_4, %dma_start3A] : memref<2688x128xi32, #tpu.memory_space<hbm>> -> memref<80x128xi32, #tpu.memory_space<hbm>>
      %dma_start3A_12 = arith.constant 0 : i32
      %dma_start3A_13 = tpu.memref_slice %arg2[%mul3A_4, %dma_start3A_12] : memref<2688x128xi32, #tpu.memory_space<hbm>> -> memref<80x128xi32, #tpu.memory_space<hbm>>
      tpu.enqueue_dma source(%dma_start3A_13 : memref<80x128xi32, #tpu.memory_space<hbm>>) target(%arg6 : memref<80x128xi32, #tpu.memory_space<vmem>>) target_semaphore(%run_scoped3A : memref<!tpu.dma_semaphore, #tpu.memory_space<semaphore_mem>>)
      %dma_wait3A = arith.constant 0 : i32
      %dma_wait3A_14 = tpu.memref_slice %arg2[%mul3A_4, %dma_wait3A] : memref<2688x128xi32, #tpu.memory_space<hbm>> -> memref<80x128xi32, #tpu.memory_space<hbm>>
      %dma_wait3A_15 = arith.constant 0 : i32
      %dma_wait3A_16 = tpu.memref_slice %arg2[%mul3A_4, %dma_wait3A_15] : memref<2688x128xi32, #tpu.memory_space<hbm>> -> memref<80x128xi32, #tpu.memory_space<hbm>>
      tpu.wait_dma2 semaphore(%run_scoped3A : memref<!tpu.dma_semaphore, #tpu.memory_space<semaphore_mem>>) src(%dma_wait3A_16 : memref<80x128xi32, #tpu.memory_space<hbm>>) dst(%arg6 : memref<80x128xi32, #tpu.memory_space<vmem>>)
      tpu.yield
    }) : () -> ()
    %barrier3A = arith.constant 0 : index
    tpu.barrier barrier_id(%barrier3A)
    %scan3A = arith.constant 0 : i32
    %scan3A_5 = arith.constant 0 : i32
    %scan3A_6 = arith.constant 80 : i32
    %scan3A_7 = arith.addi %scan3A_5, %scan3A_6 : i32
    %scan3A_8 = arith.constant 1 : i32
    scf.for %scan3A_11 = %scan3A_5 to %scan3A_7 step %scan3A_8  : i32 {
      "tpu.region"() ({
        %run_scoped3A = tpu.sem_alloc : memref<!tpu.dma_semaphore, #tpu.memory_space<semaphore_mem>>
        %dma_start3A = arith.constant 0 : i32
        %dma_start3A_12 = tpu.memref_slice %arg6[%scan3A_11, %dma_start3A] : memref<80x128xi32, #tpu.memory_space<vmem>> -> memref<1x128xi32, #tpu.memory_space<vmem>>
        %dma_start3A_13 = tpu.memref_squeeze %dma_start3A_12 : memref<1x128xi32, #tpu.memory_space<vmem>> -> memref<128xi32, #tpu.memory_space<vmem>>
        %dma_start3A_14 = arith.constant 0 : i32
        %dma_start3A_15 = arith.constant 0 : i32
        %dma_start3A_16 = tpu.memref_slice %arg8[%dma_start3A_14, %dma_start3A_15] : memref<10240x16xf32, #tpu.memory_space<vmem_shared>> -> memref<10240x16xf32, #tpu.memory_space<vmem_shared>>
        tpu.enqueue_indirect_dma source(%arg7 : memref<128x16xf32, #tpu.memory_space<vmem>>) target(%dma_start3A_16 : memref<10240x16xf32, #tpu.memory_space<vmem_shared>>) offsets(%dma_start3A_13 : memref<128xi32, #tpu.memory_space<vmem>>) semaphore(%run_scoped3A : memref<!tpu.dma_semaphore, #tpu.memory_space<semaphore_mem>>) {add = true}
        %dma_wait3A = arith.constant 0 : i32
        %dma_wait3A_17 = tpu.memref_slice %arg6[%scan3A_11, %dma_wait3A] : memref<80x128xi32, #tpu.memory_space<vmem>> -> memref<1x128xi32, #tpu.memory_space<vmem>>
        %dma_wait3A_18 = tpu.memref_squeeze %dma_wait3A_17 : memref<1x128xi32, #tpu.memory_space<vmem>> -> memref<128xi32, #tpu.memory_space<vmem>>
        %dma_wait3A_19 = arith.constant 0 : i32
        %dma_wait3A_20 = arith.constant 0 : i32
        %dma_wait3A_21 = tpu.memref_slice %arg8[%dma_wait3A_19, %dma_wait3A_20] : memref<10240x16xf32, #tpu.memory_space<vmem_shared>> -> memref<10240x16xf32, #tpu.memory_space<vmem_shared>>
        tpu.wait_indirect_dma semaphore(%run_scoped3A : memref<!tpu.dma_semaphore, #tpu.memory_space<semaphore_mem>>) src(%arg7 : memref<128x16xf32, #tpu.memory_space<vmem>>) dst(%dma_wait3A_21 : memref<10240x16xf32, #tpu.memory_space<vmem_shared>>)
        tpu.yield
      }) : () -> ()
    }
    %scan3A_9 = arith.constant 80 : i32
    %barrier3A_10 = arith.constant 0 : index
    tpu.barrier barrier_id(%barrier3A_10)
    "tpu.region"() ({
      %run_scoped3A = tpu.sem_alloc : memref<!tpu.dma_semaphore, #tpu.memory_space<semaphore_mem>>
      %dma_start3A = arith.constant 0 : i32
      %dma_start3A_11 = tpu.memref_slice %arg5[%arg0, %mul3A_2, %dma_start3A] : memref<2x10240x16xf32, #tpu.memory_space<hbm>> -> memref<1x640x16xf32, #tpu.memory_space<hbm>>
      %dma_start3A_12 = tpu.memref_squeeze %dma_start3A_11 : memref<1x640x16xf32, #tpu.memory_space<hbm>> -> memref<640x16xf32, #tpu.memory_space<hbm>>
      %dma_start3A_13 = arith.constant 0 : i32
      %dma_start3A_14 = tpu.memref_slice %arg8[%mul3A_2, %dma_start3A_13] : memref<10240x16xf32, #tpu.memory_space<vmem_shared>> -> memref<640x16xf32, #tpu.memory_space<vmem_shared>>
      tpu.enqueue_dma source(%dma_start3A_14 : memref<640x16xf32, #tpu.memory_space<vmem_shared>>) target(%dma_start3A_12 : memref<640x16xf32, #tpu.memory_space<hbm>>) target_semaphore(%run_scoped3A : memref<!tpu.dma_semaphore, #tpu.memory_space<semaphore_mem>>)
      %dma_wait3A = arith.constant 0 : i32
      %dma_wait3A_15 = tpu.memref_slice %arg5[%arg0, %mul3A_2, %dma_wait3A] : memref<2x10240x16xf32, #tpu.memory_space<hbm>> -> memref<1x640x16xf32, #tpu.memory_space<hbm>>
      %dma_wait3A_16 = tpu.memref_squeeze %dma_wait3A_15 : memref<1x640x16xf32, #tpu.memory_space<hbm>> -> memref<640x16xf32, #tpu.memory_space<hbm>>
      %dma_wait3A_17 = arith.constant 0 : i32
      %dma_wait3A_18 = tpu.memref_slice %arg8[%mul3A_2, %dma_wait3A_17] : memref<10240x16xf32, #tpu.memory_space<vmem_shared>> -> memref<640x16xf32, #tpu.memory_space<vmem_shared>>
      tpu.wait_dma2 semaphore(%run_scoped3A : memref<!tpu.dma_semaphore, #tpu.memory_space<semaphore_mem>>) src(%dma_wait3A_18 : memref<640x16xf32, #tpu.memory_space<vmem_shared>>) dst(%dma_wait3A_16 : memref<640x16xf32, #tpu.memory_space<hbm>>)
      tpu.yield
    }) : () -> ()
    return
  }
}

#map = affine_map<(d0, d1) -> (0, 0)>
#map1 = affine_map<(d0, d1) -> (0, 0, 0)>
module attributes {stable_mosaic.version = 14 : i64} {
  func.func @sage_agg128(%arg0: i32, %arg1: i32, %arg2: memref<10000x128xf32, #tpu.memory_space<hbm>>, %arg3: memref<2688x128xi32, #tpu.memory_space<hbm>>, %arg4: memref<2688x128xi32, #tpu.memory_space<hbm>>, %arg5: memref<10240x128xf32, #tpu.memory_space<hbm>>, %arg6: memref<2x10240x128xf32, #tpu.memory_space<hbm>>, %arg7: memref<80x128xi32, #tpu.memory_space<vmem>>, %arg8: memref<128xi32, #tpu.memory_space<vmem>>, %arg9: memref<128xi32, #tpu.memory_space<vmem>>, %arg10: memref<128x128xf32, #tpu.memory_space<vmem>>, %arg11: memref<128x128xf32, #tpu.memory_space<vmem>>, %arg12: memref<10240x128xf32, #tpu.memory_space<vmem_shared>>, %arg13: memref<!tpu.dma_semaphore, #tpu.memory_space<semaphore_mem>>, %arg14: memref<!tpu.dma_semaphore, #tpu.memory_space<semaphore_mem>>, %arg15: memref<!tpu.dma_semaphore, #tpu.memory_space<semaphore_mem>>, %arg16: memref<!tpu.dma_semaphore, #tpu.memory_space<semaphore_mem>>, %arg17: memref<!tpu.dma_semaphore, #tpu.memory_space<semaphore_mem>>, %arg18: memref<!tpu.dma_semaphore, #tpu.memory_space<semaphore_mem>>) attributes {dimension_semantics = [#tpu.dimension_semantics<core_parallel>, #tpu.dimension_semantics<subcore_parallel>], iteration_bounds = array<i64: 2, 16>, scalar_prefetch = 0 : i64, scratch_operands = 12 : i64, tpu.core_type = #tpu.core_type<sc_vector_subcore>, window_params = [{transform_indices = #map}, {transform_indices = #map}, {transform_indices = #map}, {transform_indices = #map}, {transform_indices = #map1}]} {
    %mul3A = arith.constant 2 : i32
    %mul3A_0 = arith.muli %arg1, %mul3A : i32
    %add3A = arith.addi %mul3A_0, %arg0 : i32
    %mul3A_1 = arith.constant 640 : i32
    %mul3A_2 = arith.muli %arg1, %mul3A_1 : i32
    %mul3A_3 = arith.constant 80 : i32
    %mul3A_4 = arith.muli %add3A, %mul3A_3 : i32
    "tpu.region"() ({
      %run_scoped3A = tpu.sem_alloc : memref<!tpu.dma_semaphore, #tpu.memory_space<semaphore_mem>>
      %dma_start3A_43 = arith.constant 0 : i32
      %dma_start3A_44 = tpu.memref_slice %arg12[%mul3A_2, %dma_start3A_43] : memref<10240x128xf32, #tpu.memory_space<vmem_shared>> -> memref<640x128xf32, #tpu.memory_space<vmem_shared>>
      %dma_start3A_45 = arith.constant 0 : i32
      %dma_start3A_46 = tpu.memref_slice %arg5[%mul3A_2, %dma_start3A_45] : memref<10240x128xf32, #tpu.memory_space<hbm>> -> memref<640x128xf32, #tpu.memory_space<hbm>>
      tpu.enqueue_dma source(%dma_start3A_46 : memref<640x128xf32, #tpu.memory_space<hbm>>) target(%dma_start3A_44 : memref<640x128xf32, #tpu.memory_space<vmem_shared>>) target_semaphore(%run_scoped3A : memref<!tpu.dma_semaphore, #tpu.memory_space<semaphore_mem>>)
      %dma_wait3A_47 = arith.constant 0 : i32
      %dma_wait3A_48 = tpu.memref_slice %arg12[%mul3A_2, %dma_wait3A_47] : memref<10240x128xf32, #tpu.memory_space<vmem_shared>> -> memref<640x128xf32, #tpu.memory_space<vmem_shared>>
      %dma_wait3A_49 = arith.constant 0 : i32
      %dma_wait3A_50 = tpu.memref_slice %arg5[%mul3A_2, %dma_wait3A_49] : memref<10240x128xf32, #tpu.memory_space<hbm>> -> memref<640x128xf32, #tpu.memory_space<hbm>>
      tpu.wait_dma2 semaphore(%run_scoped3A : memref<!tpu.dma_semaphore, #tpu.memory_space<semaphore_mem>>) src(%dma_wait3A_50 : memref<640x128xf32, #tpu.memory_space<hbm>>) dst(%dma_wait3A_48 : memref<640x128xf32, #tpu.memory_space<vmem_shared>>)
      tpu.yield
    }) : () -> ()
    "tpu.region"() ({
      %run_scoped3A = tpu.sem_alloc : memref<!tpu.dma_semaphore, #tpu.memory_space<semaphore_mem>>
      %dma_start3A_43 = arith.constant 0 : i32
      %dma_start3A_44 = tpu.memref_slice %arg4[%mul3A_4, %dma_start3A_43] : memref<2688x128xi32, #tpu.memory_space<hbm>> -> memref<80x128xi32, #tpu.memory_space<hbm>>
      %dma_start3A_45 = arith.constant 0 : i32
      %dma_start3A_46 = tpu.memref_slice %arg4[%mul3A_4, %dma_start3A_45] : memref<2688x128xi32, #tpu.memory_space<hbm>> -> memref<80x128xi32, #tpu.memory_space<hbm>>
      tpu.enqueue_dma source(%dma_start3A_46 : memref<80x128xi32, #tpu.memory_space<hbm>>) target(%arg7 : memref<80x128xi32, #tpu.memory_space<vmem>>) target_semaphore(%run_scoped3A : memref<!tpu.dma_semaphore, #tpu.memory_space<semaphore_mem>>)
      %dma_wait3A_47 = arith.constant 0 : i32
      %dma_wait3A_48 = tpu.memref_slice %arg4[%mul3A_4, %dma_wait3A_47] : memref<2688x128xi32, #tpu.memory_space<hbm>> -> memref<80x128xi32, #tpu.memory_space<hbm>>
      %dma_wait3A_49 = arith.constant 0 : i32
      %dma_wait3A_50 = tpu.memref_slice %arg4[%mul3A_4, %dma_wait3A_49] : memref<2688x128xi32, #tpu.memory_space<hbm>> -> memref<80x128xi32, #tpu.memory_space<hbm>>
      tpu.wait_dma2 semaphore(%run_scoped3A : memref<!tpu.dma_semaphore, #tpu.memory_space<semaphore_mem>>) src(%dma_wait3A_50 : memref<80x128xi32, #tpu.memory_space<hbm>>) dst(%arg7 : memref<80x128xi32, #tpu.memory_space<vmem>>)
      tpu.yield
    }) : () -> ()
    %barrier3A = arith.constant 0 : index
    tpu.barrier barrier_id(%barrier3A)
    %add3A_5 = arith.constant 0 : i32
    %add3A_6 = arith.addi %mul3A_4, %add3A_5 : i32
    %dma_start3A = arith.constant 0 : i32
    %dma_start3A_7 = tpu.memref_slice %arg3[%add3A_6, %dma_start3A] : memref<2688x128xi32, #tpu.memory_space<hbm>> -> memref<1x128xi32, #tpu.memory_space<hbm>>
    %dma_start3A_8 = tpu.memref_squeeze %dma_start3A_7 : memref<1x128xi32, #tpu.memory_space<hbm>> -> memref<128xi32, #tpu.memory_space<hbm>>
    %dma_start3A_9 = arith.constant 0 : i32
    %dma_start3A_10 = tpu.memref_slice %arg3[%add3A_6, %dma_start3A_9] : memref<2688x128xi32, #tpu.memory_space<hbm>> -> memref<1x128xi32, #tpu.memory_space<hbm>>
    %dma_start3A_11 = tpu.memref_squeeze %dma_start3A_10 : memref<1x128xi32, #tpu.memory_space<hbm>> -> memref<128xi32, #tpu.memory_space<hbm>>
    tpu.enqueue_dma source(%dma_start3A_11 : memref<128xi32, #tpu.memory_space<hbm>>) target(%arg8 : memref<128xi32, #tpu.memory_space<vmem>>) target_semaphore(%arg15 : memref<!tpu.dma_semaphore, #tpu.memory_space<semaphore_mem>>)
    %dma_wait3A = arith.constant 0 : i32
    %dma_wait3A_12 = tpu.memref_slice %arg3[%add3A_6, %dma_wait3A] : memref<2688x128xi32, #tpu.memory_space<hbm>> -> memref<1x128xi32, #tpu.memory_space<hbm>>
    %dma_wait3A_13 = tpu.memref_squeeze %dma_wait3A_12 : memref<1x128xi32, #tpu.memory_space<hbm>> -> memref<128xi32, #tpu.memory_space<hbm>>
    %dma_wait3A_14 = arith.constant 0 : i32
    %dma_wait3A_15 = tpu.memref_slice %arg3[%add3A_6, %dma_wait3A_14] : memref<2688x128xi32, #tpu.memory_space<hbm>> -> memref<1x128xi32, #tpu.memory_space<hbm>>
    %dma_wait3A_16 = tpu.memref_squeeze %dma_wait3A_15 : memref<1x128xi32, #tpu.memory_space<hbm>> -> memref<128xi32, #tpu.memory_space<hbm>>
    tpu.wait_dma2 semaphore(%arg15 : memref<!tpu.dma_semaphore, #tpu.memory_space<semaphore_mem>>) src(%dma_wait3A_16 : memref<128xi32, #tpu.memory_space<hbm>>) dst(%arg8 : memref<128xi32, #tpu.memory_space<vmem>>)
    %add3A_17 = arith.constant 1 : i32
    %add3A_18 = arith.addi %mul3A_4, %add3A_17 : i32
    %dma_start3A_19 = arith.constant 0 : i32
    %dma_start3A_20 = tpu.memref_slice %arg3[%add3A_18, %dma_start3A_19] : memref<2688x128xi32, #tpu.memory_space<hbm>> -> memref<1x128xi32, #tpu.memory_space<hbm>>
    %dma_start3A_21 = tpu.memref_squeeze %dma_start3A_20 : memref<1x128xi32, #tpu.memory_space<hbm>> -> memref<128xi32, #tpu.memory_space<hbm>>
    %dma_start3A_22 = arith.constant 0 : i32
    %dma_start3A_23 = tpu.memref_slice %arg3[%add3A_18, %dma_start3A_22] : memref<2688x128xi32, #tpu.memory_space<hbm>> -> memref<1x128xi32, #tpu.memory_space<hbm>>
    %dma_start3A_24 = tpu.memref_squeeze %dma_start3A_23 : memref<1x128xi32, #tpu.memory_space<hbm>> -> memref<128xi32, #tpu.memory_space<hbm>>
    tpu.enqueue_dma source(%dma_start3A_24 : memref<128xi32, #tpu.memory_space<hbm>>) target(%arg9 : memref<128xi32, #tpu.memory_space<vmem>>) target_semaphore(%arg16 : memref<!tpu.dma_semaphore, #tpu.memory_space<semaphore_mem>>)
    %dma_start3A_25 = arith.constant 0 : i32
    %dma_start3A_26 = arith.constant 0 : i32
    %dma_start3A_27 = tpu.memref_slice %arg2[%dma_start3A_25, %dma_start3A_26] : memref<10000x128xf32, #tpu.memory_space<hbm>> -> memref<10000x128xf32, #tpu.memory_space<hbm>>
    tpu.enqueue_indirect_dma source(%dma_start3A_27 : memref<10000x128xf32, #tpu.memory_space<hbm>>) target(%arg10 : memref<128x128xf32, #tpu.memory_space<vmem>>) offsets(%arg8 : memref<128xi32, #tpu.memory_space<vmem>>) semaphore(%arg13 : memref<!tpu.dma_semaphore, #tpu.memory_space<semaphore_mem>>)
    %scan3A = arith.constant 0 : i32
    %scan3A_28 = arith.constant 0 : i32
    %scan3A_29 = arith.constant 40 : i32
    %scan3A_30 = arith.addi %scan3A_28, %scan3A_29 : i32
    %scan3A_31 = arith.constant 1 : i32
    scf.for %scan3A_43 = %scan3A_28 to %scan3A_30 step %scan3A_31  : i32 {
      %mul3A_44 = arith.constant 2 : i32
      %mul3A_45 = arith.muli %mul3A_44, %scan3A_43 : i32
      %dma_wait3A_46 = arith.constant 0 : i32
      %dma_wait3A_47 = tpu.memref_slice %arg3[%mul3A_4, %dma_wait3A_46] : memref<2688x128xi32, #tpu.memory_space<hbm>> -> memref<1x128xi32, #tpu.memory_space<hbm>>
      %dma_wait3A_48 = tpu.memref_squeeze %dma_wait3A_47 : memref<1x128xi32, #tpu.memory_space<hbm>> -> memref<128xi32, #tpu.memory_space<hbm>>
      %dma_wait3A_49 = arith.constant 0 : i32
      %dma_wait3A_50 = tpu.memref_slice %arg3[%mul3A_4, %dma_wait3A_49] : memref<2688x128xi32, #tpu.memory_space<hbm>> -> memref<1x128xi32, #tpu.memory_space<hbm>>
      %dma_wait3A_51 = tpu.memref_squeeze %dma_wait3A_50 : memref<1x128xi32, #tpu.memory_space<hbm>> -> memref<128xi32, #tpu.memory_space<hbm>>
      tpu.wait_dma2 semaphore(%arg16 : memref<!tpu.dma_semaphore, #tpu.memory_space<semaphore_mem>>) src(%dma_wait3A_51 : memref<128xi32, #tpu.memory_space<hbm>>) dst(%arg9 : memref<128xi32, #tpu.memory_space<vmem>>)
      %dma_start3A_52 = arith.constant 0 : i32
      %dma_start3A_53 = arith.constant 0 : i32
      %dma_start3A_54 = tpu.memref_slice %arg2[%dma_start3A_52, %dma_start3A_53] : memref<10000x128xf32, #tpu.memory_space<hbm>> -> memref<10000x128xf32, #tpu.memory_space<hbm>>
      tpu.enqueue_indirect_dma source(%dma_start3A_54 : memref<10000x128xf32, #tpu.memory_space<hbm>>) target(%arg11 : memref<128x128xf32, #tpu.memory_space<vmem>>) offsets(%arg9 : memref<128xi32, #tpu.memory_space<vmem>>) semaphore(%arg14 : memref<!tpu.dma_semaphore, #tpu.memory_space<semaphore_mem>>)
      %dma_wait3A_55 = arith.constant 0 : i32
      %dma_wait3A_56 = arith.constant 0 : i32
      %dma_wait3A_57 = tpu.memref_slice %arg2[%dma_wait3A_55, %dma_wait3A_56] : memref<10000x128xf32, #tpu.memory_space<hbm>> -> memref<10000x128xf32, #tpu.memory_space<hbm>>
      tpu.wait_indirect_dma semaphore(%arg13 : memref<!tpu.dma_semaphore, #tpu.memory_space<semaphore_mem>>) src(%dma_wait3A_57 : memref<10000x128xf32, #tpu.memory_space<hbm>>) dst(%arg10 : memref<128x128xf32, #tpu.memory_space<vmem>>)
      %add3A_58 = arith.constant 2 : i32
      %add3A_59 = arith.addi %mul3A_45, %add3A_58 : i32
      %add3A_60 = arith.addi %mul3A_4, %add3A_59 : i32
      %dma_start3A_61 = arith.constant 0 : i32
      %dma_start3A_62 = tpu.memref_slice %arg3[%add3A_60, %dma_start3A_61] : memref<2688x128xi32, #tpu.memory_space<hbm>> -> memref<1x128xi32, #tpu.memory_space<hbm>>
      %dma_start3A_63 = tpu.memref_squeeze %dma_start3A_62 : memref<1x128xi32, #tpu.memory_space<hbm>> -> memref<128xi32, #tpu.memory_space<hbm>>
      %dma_start3A_64 = arith.constant 0 : i32
      %dma_start3A_65 = tpu.memref_slice %arg3[%add3A_60, %dma_start3A_64] : memref<2688x128xi32, #tpu.memory_space<hbm>> -> memref<1x128xi32, #tpu.memory_space<hbm>>
      %dma_start3A_66 = tpu.memref_squeeze %dma_start3A_65 : memref<1x128xi32, #tpu.memory_space<hbm>> -> memref<128xi32, #tpu.memory_space<hbm>>
      tpu.enqueue_dma source(%dma_start3A_66 : memref<128xi32, #tpu.memory_space<hbm>>) target(%arg8 : memref<128xi32, #tpu.memory_space<vmem>>) target_semaphore(%arg15 : memref<!tpu.dma_semaphore, #tpu.memory_space<semaphore_mem>>)
      "tpu.region"() ({
        %run_scoped3A = tpu.sem_alloc : memref<!tpu.dma_semaphore, #tpu.memory_space<semaphore_mem>>
        %dma_start3A_90 = arith.constant 0 : i32
        %dma_start3A_91 = tpu.memref_slice %arg7[%mul3A_45, %dma_start3A_90] : memref<80x128xi32, #tpu.memory_space<vmem>> -> memref<1x128xi32, #tpu.memory_space<vmem>>
        %dma_start3A_92 = tpu.memref_squeeze %dma_start3A_91 : memref<1x128xi32, #tpu.memory_space<vmem>> -> memref<128xi32, #tpu.memory_space<vmem>>
        %dma_start3A_93 = arith.constant 0 : i32
        %dma_start3A_94 = arith.constant 0 : i32
        %dma_start3A_95 = tpu.memref_slice %arg12[%dma_start3A_93, %dma_start3A_94] : memref<10240x128xf32, #tpu.memory_space<vmem_shared>> -> memref<10240x128xf32, #tpu.memory_space<vmem_shared>>
        tpu.enqueue_indirect_dma source(%arg10 : memref<128x128xf32, #tpu.memory_space<vmem>>) target(%dma_start3A_95 : memref<10240x128xf32, #tpu.memory_space<vmem_shared>>) offsets(%dma_start3A_92 : memref<128xi32, #tpu.memory_space<vmem>>) semaphore(%run_scoped3A : memref<!tpu.dma_semaphore, #tpu.memory_space<semaphore_mem>>) {add = true}
        %dma_wait3A_96 = arith.constant 0 : i32
        %dma_wait3A_97 = tpu.memref_slice %arg7[%mul3A_45, %dma_wait3A_96] : memref<80x128xi32, #tpu.memory_space<vmem>> -> memref<1x128xi32, #tpu.memory_space<vmem>>
        %dma_wait3A_98 = tpu.memref_squeeze %dma_wait3A_97 : memref<1x128xi32, #tpu.memory_space<vmem>> -> memref<128xi32, #tpu.memory_space<vmem>>
        %dma_wait3A_99 = arith.constant 0 : i32
        %dma_wait3A_100 = arith.constant 0 : i32
        %dma_wait3A_101 = tpu.memref_slice %arg12[%dma_wait3A_99, %dma_wait3A_100] : memref<10240x128xf32, #tpu.memory_space<vmem_shared>> -> memref<10240x128xf32, #tpu.memory_space<vmem_shared>>
        tpu.wait_indirect_dma semaphore(%run_scoped3A : memref<!tpu.dma_semaphore, #tpu.memory_space<semaphore_mem>>) src(%arg10 : memref<128x128xf32, #tpu.memory_space<vmem>>) dst(%dma_wait3A_101 : memref<10240x128xf32, #tpu.memory_space<vmem_shared>>)
        tpu.yield
      }) : () -> ()
      %dma_wait3A_67 = arith.constant 0 : i32
      %dma_wait3A_68 = tpu.memref_slice %arg3[%mul3A_4, %dma_wait3A_67] : memref<2688x128xi32, #tpu.memory_space<hbm>> -> memref<1x128xi32, #tpu.memory_space<hbm>>
      %dma_wait3A_69 = tpu.memref_squeeze %dma_wait3A_68 : memref<1x128xi32, #tpu.memory_space<hbm>> -> memref<128xi32, #tpu.memory_space<hbm>>
      %dma_wait3A_70 = arith.constant 0 : i32
      %dma_wait3A_71 = tpu.memref_slice %arg3[%mul3A_4, %dma_wait3A_70] : memref<2688x128xi32, #tpu.memory_space<hbm>> -> memref<1x128xi32, #tpu.memory_space<hbm>>
      %dma_wait3A_72 = tpu.memref_squeeze %dma_wait3A_71 : memref<1x128xi32, #tpu.memory_space<hbm>> -> memref<128xi32, #tpu.memory_space<hbm>>
      tpu.wait_dma2 semaphore(%arg15 : memref<!tpu.dma_semaphore, #tpu.memory_space<semaphore_mem>>) src(%dma_wait3A_72 : memref<128xi32, #tpu.memory_space<hbm>>) dst(%arg8 : memref<128xi32, #tpu.memory_space<vmem>>)
      %dma_start3A_73 = arith.constant 0 : i32
      %dma_start3A_74 = arith.constant 0 : i32
      %dma_start3A_75 = tpu.memref_slice %arg2[%dma_start3A_73, %dma_start3A_74] : memref<10000x128xf32, #tpu.memory_space<hbm>> -> memref<10000x128xf32, #tpu.memory_space<hbm>>
      tpu.enqueue_indirect_dma source(%dma_start3A_75 : memref<10000x128xf32, #tpu.memory_space<hbm>>) target(%arg10 : memref<128x128xf32, #tpu.memory_space<vmem>>) offsets(%arg8 : memref<128xi32, #tpu.memory_space<vmem>>) semaphore(%arg13 : memref<!tpu.dma_semaphore, #tpu.memory_space<semaphore_mem>>)
      %dma_wait3A_76 = arith.constant 0 : i32
      %dma_wait3A_77 = arith.constant 0 : i32
      %dma_wait3A_78 = tpu.memref_slice %arg2[%dma_wait3A_76, %dma_wait3A_77] : memref<10000x128xf32, #tpu.memory_space<hbm>> -> memref<10000x128xf32, #tpu.memory_space<hbm>>
      tpu.wait_indirect_dma semaphore(%arg14 : memref<!tpu.dma_semaphore, #tpu.memory_space<semaphore_mem>>) src(%dma_wait3A_78 : memref<10000x128xf32, #tpu.memory_space<hbm>>) dst(%arg11 : memref<128x128xf32, #tpu.memory_space<vmem>>)
      %add3A_79 = arith.constant 3 : i32
      %add3A_80 = arith.addi %mul3A_45, %add3A_79 : i32
      %add3A_81 = arith.addi %mul3A_4, %add3A_80 : i32
      %dma_start3A_82 = arith.constant 0 : i32
      %dma_start3A_83 = tpu.memref_slice %arg3[%add3A_81, %dma_start3A_82] : memref<2688x128xi32, #tpu.memory_space<hbm>> -> memref<1x128xi32, #tpu.memory_space<hbm>>
      %dma_start3A_84 = tpu.memref_squeeze %dma_start3A_83 : memref<1x128xi32, #tpu.memory_space<hbm>> -> memref<128xi32, #tpu.memory_space<hbm>>
      %dma_start3A_85 = arith.constant 0 : i32
      %dma_start3A_86 = tpu.memref_slice %arg3[%add3A_81, %dma_start3A_85] : memref<2688x128xi32, #tpu.memory_space<hbm>> -> memref<1x128xi32, #tpu.memory_space<hbm>>
      %dma_start3A_87 = tpu.memref_squeeze %dma_start3A_86 : memref<1x128xi32, #tpu.memory_space<hbm>> -> memref<128xi32, #tpu.memory_space<hbm>>
      tpu.enqueue_dma source(%dma_start3A_87 : memref<128xi32, #tpu.memory_space<hbm>>) target(%arg9 : memref<128xi32, #tpu.memory_space<vmem>>) target_semaphore(%arg16 : memref<!tpu.dma_semaphore, #tpu.memory_space<semaphore_mem>>)
      %add3A_88 = arith.constant 1 : i32
      %add3A_89 = arith.addi %mul3A_45, %add3A_88 : i32
      "tpu.region"() ({
        %run_scoped3A = tpu.sem_alloc : memref<!tpu.dma_semaphore, #tpu.memory_space<semaphore_mem>>
        %dma_start3A_90 = arith.constant 0 : i32
        %dma_start3A_91 = tpu.memref_slice %arg7[%add3A_89, %dma_start3A_90] : memref<80x128xi32, #tpu.memory_space<vmem>> -> memref<1x128xi32, #tpu.memory_space<vmem>>
        %dma_start3A_92 = tpu.memref_squeeze %dma_start3A_91 : memref<1x128xi32, #tpu.memory_space<vmem>> -> memref<128xi32, #tpu.memory_space<vmem>>
        %dma_start3A_93 = arith.constant 0 : i32
        %dma_start3A_94 = arith.constant 0 : i32
        %dma_start3A_95 = tpu.memref_slice %arg12[%dma_start3A_93, %dma_start3A_94] : memref<10240x128xf32, #tpu.memory_space<vmem_shared>> -> memref<10240x128xf32, #tpu.memory_space<vmem_shared>>
        tpu.enqueue_indirect_dma source(%arg11 : memref<128x128xf32, #tpu.memory_space<vmem>>) target(%dma_start3A_95 : memref<10240x128xf32, #tpu.memory_space<vmem_shared>>) offsets(%dma_start3A_92 : memref<128xi32, #tpu.memory_space<vmem>>) semaphore(%run_scoped3A : memref<!tpu.dma_semaphore, #tpu.memory_space<semaphore_mem>>) {add = true}
        %dma_wait3A_96 = arith.constant 0 : i32
        %dma_wait3A_97 = tpu.memref_slice %arg7[%add3A_89, %dma_wait3A_96] : memref<80x128xi32, #tpu.memory_space<vmem>> -> memref<1x128xi32, #tpu.memory_space<vmem>>
        %dma_wait3A_98 = tpu.memref_squeeze %dma_wait3A_97 : memref<1x128xi32, #tpu.memory_space<vmem>> -> memref<128xi32, #tpu.memory_space<vmem>>
        %dma_wait3A_99 = arith.constant 0 : i32
        %dma_wait3A_100 = arith.constant 0 : i32
        %dma_wait3A_101 = tpu.memref_slice %arg12[%dma_wait3A_99, %dma_wait3A_100] : memref<10240x128xf32, #tpu.memory_space<vmem_shared>> -> memref<10240x128xf32, #tpu.memory_space<vmem_shared>>
        tpu.wait_indirect_dma semaphore(%run_scoped3A : memref<!tpu.dma_semaphore, #tpu.memory_space<semaphore_mem>>) src(%arg11 : memref<128x128xf32, #tpu.memory_space<vmem>>) dst(%dma_wait3A_101 : memref<10240x128xf32, #tpu.memory_space<vmem_shared>>)
        tpu.yield
      }) : () -> ()
    }
    %scan3A_32 = arith.constant 40 : i32
    %dma_wait3A_33 = arith.constant 0 : i32
    %dma_wait3A_34 = arith.constant 0 : i32
    %dma_wait3A_35 = tpu.memref_slice %arg2[%dma_wait3A_33, %dma_wait3A_34] : memref<10000x128xf32, #tpu.memory_space<hbm>> -> memref<10000x128xf32, #tpu.memory_space<hbm>>
    tpu.wait_indirect_dma semaphore(%arg13 : memref<!tpu.dma_semaphore, #tpu.memory_space<semaphore_mem>>) src(%dma_wait3A_35 : memref<10000x128xf32, #tpu.memory_space<hbm>>) dst(%arg10 : memref<128x128xf32, #tpu.memory_space<vmem>>)
    %dma_wait3A_36 = arith.constant 0 : i32
    %dma_wait3A_37 = tpu.memref_slice %arg3[%mul3A_4, %dma_wait3A_36] : memref<2688x128xi32, #tpu.memory_space<hbm>> -> memref<1x128xi32, #tpu.memory_space<hbm>>
    %dma_wait3A_38 = tpu.memref_squeeze %dma_wait3A_37 : memref<1x128xi32, #tpu.memory_space<hbm>> -> memref<128xi32, #tpu.memory_space<hbm>>
    %dma_wait3A_39 = arith.constant 0 : i32
    %dma_wait3A_40 = tpu.memref_slice %arg3[%mul3A_4, %dma_wait3A_39] : memref<2688x128xi32, #tpu.memory_space<hbm>> -> memref<1x128xi32, #tpu.memory_space<hbm>>
    %dma_wait3A_41 = tpu.memref_squeeze %dma_wait3A_40 : memref<1x128xi32, #tpu.memory_space<hbm>> -> memref<128xi32, #tpu.memory_space<hbm>>
    tpu.wait_dma2 semaphore(%arg16 : memref<!tpu.dma_semaphore, #tpu.memory_space<semaphore_mem>>) src(%dma_wait3A_41 : memref<128xi32, #tpu.memory_space<hbm>>) dst(%arg9 : memref<128xi32, #tpu.memory_space<vmem>>)
    %barrier3A_42 = arith.constant 0 : index
    tpu.barrier barrier_id(%barrier3A_42)
    "tpu.region"() ({
      %run_scoped3A = tpu.sem_alloc : memref<!tpu.dma_semaphore, #tpu.memory_space<semaphore_mem>>
      %dma_start3A_43 = arith.constant 0 : i32
      %dma_start3A_44 = tpu.memref_slice %arg6[%arg0, %mul3A_2, %dma_start3A_43] : memref<2x10240x128xf32, #tpu.memory_space<hbm>> -> memref<1x640x128xf32, #tpu.memory_space<hbm>>
      %dma_start3A_45 = tpu.memref_squeeze %dma_start3A_44 : memref<1x640x128xf32, #tpu.memory_space<hbm>> -> memref<640x128xf32, #tpu.memory_space<hbm>>
      %dma_start3A_46 = arith.constant 0 : i32
      %dma_start3A_47 = tpu.memref_slice %arg12[%mul3A_2, %dma_start3A_46] : memref<10240x128xf32, #tpu.memory_space<vmem_shared>> -> memref<640x128xf32, #tpu.memory_space<vmem_shared>>
      tpu.enqueue_dma source(%dma_start3A_47 : memref<640x128xf32, #tpu.memory_space<vmem_shared>>) target(%dma_start3A_45 : memref<640x128xf32, #tpu.memory_space<hbm>>) target_semaphore(%run_scoped3A : memref<!tpu.dma_semaphore, #tpu.memory_space<semaphore_mem>>)
      %dma_wait3A_48 = arith.constant 0 : i32
      %dma_wait3A_49 = tpu.memref_slice %arg6[%arg0, %mul3A_2, %dma_wait3A_48] : memref<2x10240x128xf32, #tpu.memory_space<hbm>> -> memref<1x640x128xf32, #tpu.memory_space<hbm>>
      %dma_wait3A_50 = tpu.memref_squeeze %dma_wait3A_49 : memref<1x640x128xf32, #tpu.memory_space<hbm>> -> memref<640x128xf32, #tpu.memory_space<hbm>>
      %dma_wait3A_51 = arith.constant 0 : i32
      %dma_wait3A_52 = tpu.memref_slice %arg12[%mul3A_2, %dma_wait3A_51] : memref<10240x128xf32, #tpu.memory_space<vmem_shared>> -> memref<640x128xf32, #tpu.memory_space<vmem_shared>>
      tpu.wait_dma2 semaphore(%run_scoped3A : memref<!tpu.dma_semaphore, #tpu.memory_space<semaphore_mem>>) src(%dma_wait3A_52 : memref<640x128xf32, #tpu.memory_space<vmem_shared>>) dst(%dma_wait3A_50 : memref<640x128xf32, #tpu.memory_space<hbm>>)
      tpu.yield
    }) : () -> ()
    return
  }
}

#map = affine_map<(d0, d1) -> (0, 0)>
#map1 = affine_map<(d0, d1) -> (0, 0, 0)>
module attributes {stable_mosaic.version = 14 : i64} {
  func.func @sage_agg128(%arg0: i32, %arg1: i32, %arg2: memref<10000x128xf32, #tpu.memory_space<hbm>>, %arg3: memref<2688x128xi32, #tpu.memory_space<hbm>>, %arg4: memref<2688x128xi32, #tpu.memory_space<hbm>>, %arg5: memref<10240x128xf32, #tpu.memory_space<hbm>>, %arg6: memref<2x10240x128xf32, #tpu.memory_space<hbm>>, %arg7: memref<80x128xi32, #tpu.memory_space<vmem>>, %arg8: memref<128xi32, #tpu.memory_space<vmem>>, %arg9: memref<128xi32, #tpu.memory_space<vmem>>, %arg10: memref<128x128xf32, #tpu.memory_space<vmem>>, %arg11: memref<128x128xf32, #tpu.memory_space<vmem>>, %arg12: memref<10240x128xf32, #tpu.memory_space<vmem_shared>>, %arg13: memref<!tpu.dma_semaphore, #tpu.memory_space<semaphore_mem>>, %arg14: memref<!tpu.dma_semaphore, #tpu.memory_space<semaphore_mem>>, %arg15: memref<!tpu.dma_semaphore, #tpu.memory_space<semaphore_mem>>, %arg16: memref<!tpu.dma_semaphore, #tpu.memory_space<semaphore_mem>>, %arg17: memref<!tpu.dma_semaphore, #tpu.memory_space<semaphore_mem>>, %arg18: memref<!tpu.dma_semaphore, #tpu.memory_space<semaphore_mem>>) attributes {dimension_semantics = [#tpu.dimension_semantics<core_parallel>, #tpu.dimension_semantics<subcore_parallel>], iteration_bounds = array<i64: 2, 16>, scalar_prefetch = 0 : i64, scratch_operands = 12 : i64, tpu.core_type = #tpu.core_type<sc_vector_subcore>, window_params = [{transform_indices = #map}, {transform_indices = #map}, {transform_indices = #map}, {transform_indices = #map}, {transform_indices = #map1}]} {
    %mul3A = arith.constant 2 : i32
    %mul3A_0 = arith.muli %arg1, %mul3A : i32
    %add3A = arith.addi %mul3A_0, %arg0 : i32
    %mul3A_1 = arith.constant 640 : i32
    %mul3A_2 = arith.muli %arg1, %mul3A_1 : i32
    %mul3A_3 = arith.constant 80 : i32
    %mul3A_4 = arith.muli %add3A, %mul3A_3 : i32
    "tpu.region"() ({
      %run_scoped3A = tpu.sem_alloc : memref<!tpu.dma_semaphore, #tpu.memory_space<semaphore_mem>>
      %dma_start3A_43 = arith.constant 0 : i32
      %dma_start3A_44 = tpu.memref_slice %arg12[%mul3A_2, %dma_start3A_43] : memref<10240x128xf32, #tpu.memory_space<vmem_shared>> -> memref<640x128xf32, #tpu.memory_space<vmem_shared>>
      %dma_start3A_45 = arith.constant 0 : i32
      %dma_start3A_46 = tpu.memref_slice %arg5[%mul3A_2, %dma_start3A_45] : memref<10240x128xf32, #tpu.memory_space<hbm>> -> memref<640x128xf32, #tpu.memory_space<hbm>>
      tpu.enqueue_dma source(%dma_start3A_46 : memref<640x128xf32, #tpu.memory_space<hbm>>) target(%dma_start3A_44 : memref<640x128xf32, #tpu.memory_space<vmem_shared>>) target_semaphore(%run_scoped3A : memref<!tpu.dma_semaphore, #tpu.memory_space<semaphore_mem>>)
      %dma_wait3A_47 = arith.constant 0 : i32
      %dma_wait3A_48 = tpu.memref_slice %arg12[%mul3A_2, %dma_wait3A_47] : memref<10240x128xf32, #tpu.memory_space<vmem_shared>> -> memref<640x128xf32, #tpu.memory_space<vmem_shared>>
      %dma_wait3A_49 = arith.constant 0 : i32
      %dma_wait3A_50 = tpu.memref_slice %arg5[%mul3A_2, %dma_wait3A_49] : memref<10240x128xf32, #tpu.memory_space<hbm>> -> memref<640x128xf32, #tpu.memory_space<hbm>>
      tpu.wait_dma2 semaphore(%run_scoped3A : memref<!tpu.dma_semaphore, #tpu.memory_space<semaphore_mem>>) src(%dma_wait3A_50 : memref<640x128xf32, #tpu.memory_space<hbm>>) dst(%dma_wait3A_48 : memref<640x128xf32, #tpu.memory_space<vmem_shared>>)
      tpu.yield
    }) : () -> ()
    "tpu.region"() ({
      %run_scoped3A = tpu.sem_alloc : memref<!tpu.dma_semaphore, #tpu.memory_space<semaphore_mem>>
      %dma_start3A_43 = arith.constant 0 : i32
      %dma_start3A_44 = tpu.memref_slice %arg4[%mul3A_4, %dma_start3A_43] : memref<2688x128xi32, #tpu.memory_space<hbm>> -> memref<80x128xi32, #tpu.memory_space<hbm>>
      %dma_start3A_45 = arith.constant 0 : i32
      %dma_start3A_46 = tpu.memref_slice %arg4[%mul3A_4, %dma_start3A_45] : memref<2688x128xi32, #tpu.memory_space<hbm>> -> memref<80x128xi32, #tpu.memory_space<hbm>>
      tpu.enqueue_dma source(%dma_start3A_46 : memref<80x128xi32, #tpu.memory_space<hbm>>) target(%arg7 : memref<80x128xi32, #tpu.memory_space<vmem>>) target_semaphore(%run_scoped3A : memref<!tpu.dma_semaphore, #tpu.memory_space<semaphore_mem>>)
      %dma_wait3A_47 = arith.constant 0 : i32
      %dma_wait3A_48 = tpu.memref_slice %arg4[%mul3A_4, %dma_wait3A_47] : memref<2688x128xi32, #tpu.memory_space<hbm>> -> memref<80x128xi32, #tpu.memory_space<hbm>>
      %dma_wait3A_49 = arith.constant 0 : i32
      %dma_wait3A_50 = tpu.memref_slice %arg4[%mul3A_4, %dma_wait3A_49] : memref<2688x128xi32, #tpu.memory_space<hbm>> -> memref<80x128xi32, #tpu.memory_space<hbm>>
      tpu.wait_dma2 semaphore(%run_scoped3A : memref<!tpu.dma_semaphore, #tpu.memory_space<semaphore_mem>>) src(%dma_wait3A_50 : memref<80x128xi32, #tpu.memory_space<hbm>>) dst(%arg7 : memref<80x128xi32, #tpu.memory_space<vmem>>)
      tpu.yield
    }) : () -> ()
    %barrier3A = arith.constant 0 : index
    tpu.barrier barrier_id(%barrier3A)
    %add3A_5 = arith.constant 0 : i32
    %add3A_6 = arith.addi %mul3A_4, %add3A_5 : i32
    %dma_start3A = arith.constant 0 : i32
    %dma_start3A_7 = tpu.memref_slice %arg3[%add3A_6, %dma_start3A] : memref<2688x128xi32, #tpu.memory_space<hbm>> -> memref<1x128xi32, #tpu.memory_space<hbm>>
    %dma_start3A_8 = tpu.memref_squeeze %dma_start3A_7 : memref<1x128xi32, #tpu.memory_space<hbm>> -> memref<128xi32, #tpu.memory_space<hbm>>
    %dma_start3A_9 = arith.constant 0 : i32
    %dma_start3A_10 = tpu.memref_slice %arg3[%add3A_6, %dma_start3A_9] : memref<2688x128xi32, #tpu.memory_space<hbm>> -> memref<1x128xi32, #tpu.memory_space<hbm>>
    %dma_start3A_11 = tpu.memref_squeeze %dma_start3A_10 : memref<1x128xi32, #tpu.memory_space<hbm>> -> memref<128xi32, #tpu.memory_space<hbm>>
    tpu.enqueue_dma source(%dma_start3A_11 : memref<128xi32, #tpu.memory_space<hbm>>) target(%arg8 : memref<128xi32, #tpu.memory_space<vmem>>) target_semaphore(%arg15 : memref<!tpu.dma_semaphore, #tpu.memory_space<semaphore_mem>>)
    %dma_wait3A = arith.constant 0 : i32
    %dma_wait3A_12 = tpu.memref_slice %arg3[%add3A_6, %dma_wait3A] : memref<2688x128xi32, #tpu.memory_space<hbm>> -> memref<1x128xi32, #tpu.memory_space<hbm>>
    %dma_wait3A_13 = tpu.memref_squeeze %dma_wait3A_12 : memref<1x128xi32, #tpu.memory_space<hbm>> -> memref<128xi32, #tpu.memory_space<hbm>>
    %dma_wait3A_14 = arith.constant 0 : i32
    %dma_wait3A_15 = tpu.memref_slice %arg3[%add3A_6, %dma_wait3A_14] : memref<2688x128xi32, #tpu.memory_space<hbm>> -> memref<1x128xi32, #tpu.memory_space<hbm>>
    %dma_wait3A_16 = tpu.memref_squeeze %dma_wait3A_15 : memref<1x128xi32, #tpu.memory_space<hbm>> -> memref<128xi32, #tpu.memory_space<hbm>>
    tpu.wait_dma2 semaphore(%arg15 : memref<!tpu.dma_semaphore, #tpu.memory_space<semaphore_mem>>) src(%dma_wait3A_16 : memref<128xi32, #tpu.memory_space<hbm>>) dst(%arg8 : memref<128xi32, #tpu.memory_space<vmem>>)
    %add3A_17 = arith.constant 1 : i32
    %add3A_18 = arith.addi %mul3A_4, %add3A_17 : i32
    %dma_start3A_19 = arith.constant 0 : i32
    %dma_start3A_20 = tpu.memref_slice %arg3[%add3A_18, %dma_start3A_19] : memref<2688x128xi32, #tpu.memory_space<hbm>> -> memref<1x128xi32, #tpu.memory_space<hbm>>
    %dma_start3A_21 = tpu.memref_squeeze %dma_start3A_20 : memref<1x128xi32, #tpu.memory_space<hbm>> -> memref<128xi32, #tpu.memory_space<hbm>>
    %dma_start3A_22 = arith.constant 0 : i32
    %dma_start3A_23 = tpu.memref_slice %arg3[%add3A_18, %dma_start3A_22] : memref<2688x128xi32, #tpu.memory_space<hbm>> -> memref<1x128xi32, #tpu.memory_space<hbm>>
    %dma_start3A_24 = tpu.memref_squeeze %dma_start3A_23 : memref<1x128xi32, #tpu.memory_space<hbm>> -> memref<128xi32, #tpu.memory_space<hbm>>
    tpu.enqueue_dma source(%dma_start3A_24 : memref<128xi32, #tpu.memory_space<hbm>>) target(%arg9 : memref<128xi32, #tpu.memory_space<vmem>>) target_semaphore(%arg16 : memref<!tpu.dma_semaphore, #tpu.memory_space<semaphore_mem>>)
    %dma_start3A_25 = arith.constant 0 : i32
    %dma_start3A_26 = arith.constant 0 : i32
    %dma_start3A_27 = tpu.memref_slice %arg2[%dma_start3A_25, %dma_start3A_26] : memref<10000x128xf32, #tpu.memory_space<hbm>> -> memref<10000x128xf32, #tpu.memory_space<hbm>>
    tpu.enqueue_indirect_dma source(%dma_start3A_27 : memref<10000x128xf32, #tpu.memory_space<hbm>>) target(%arg10 : memref<128x128xf32, #tpu.memory_space<vmem>>) offsets(%arg8 : memref<128xi32, #tpu.memory_space<vmem>>) semaphore(%arg13 : memref<!tpu.dma_semaphore, #tpu.memory_space<semaphore_mem>>)
    %scan3A = arith.constant 0 : i32
    %scan3A_28 = arith.constant 0 : i32
    %scan3A_29 = arith.constant 40 : i32
    %scan3A_30 = arith.addi %scan3A_28, %scan3A_29 : i32
    %scan3A_31 = arith.constant 1 : i32
    scf.for %scan3A_43 = %scan3A_28 to %scan3A_30 step %scan3A_31  : i32 {
      %mul3A_44 = arith.constant 2 : i32
      %mul3A_45 = arith.muli %mul3A_44, %scan3A_43 : i32
      %dma_wait3A_46 = arith.constant 0 : i32
      %dma_wait3A_47 = tpu.memref_slice %arg3[%mul3A_4, %dma_wait3A_46] : memref<2688x128xi32, #tpu.memory_space<hbm>> -> memref<1x128xi32, #tpu.memory_space<hbm>>
      %dma_wait3A_48 = tpu.memref_squeeze %dma_wait3A_47 : memref<1x128xi32, #tpu.memory_space<hbm>> -> memref<128xi32, #tpu.memory_space<hbm>>
      %dma_wait3A_49 = arith.constant 0 : i32
      %dma_wait3A_50 = tpu.memref_slice %arg3[%mul3A_4, %dma_wait3A_49] : memref<2688x128xi32, #tpu.memory_space<hbm>> -> memref<1x128xi32, #tpu.memory_space<hbm>>
      %dma_wait3A_51 = tpu.memref_squeeze %dma_wait3A_50 : memref<1x128xi32, #tpu.memory_space<hbm>> -> memref<128xi32, #tpu.memory_space<hbm>>
      tpu.wait_dma2 semaphore(%arg16 : memref<!tpu.dma_semaphore, #tpu.memory_space<semaphore_mem>>) src(%dma_wait3A_51 : memref<128xi32, #tpu.memory_space<hbm>>) dst(%arg9 : memref<128xi32, #tpu.memory_space<vmem>>)
      %dma_start3A_52 = arith.constant 0 : i32
      %dma_start3A_53 = arith.constant 0 : i32
      %dma_start3A_54 = tpu.memref_slice %arg2[%dma_start3A_52, %dma_start3A_53] : memref<10000x128xf32, #tpu.memory_space<hbm>> -> memref<10000x128xf32, #tpu.memory_space<hbm>>
      tpu.enqueue_indirect_dma source(%dma_start3A_54 : memref<10000x128xf32, #tpu.memory_space<hbm>>) target(%arg11 : memref<128x128xf32, #tpu.memory_space<vmem>>) offsets(%arg9 : memref<128xi32, #tpu.memory_space<vmem>>) semaphore(%arg14 : memref<!tpu.dma_semaphore, #tpu.memory_space<semaphore_mem>>)
      %dma_wait3A_55 = arith.constant 0 : i32
      %dma_wait3A_56 = arith.constant 0 : i32
      %dma_wait3A_57 = tpu.memref_slice %arg2[%dma_wait3A_55, %dma_wait3A_56] : memref<10000x128xf32, #tpu.memory_space<hbm>> -> memref<10000x128xf32, #tpu.memory_space<hbm>>
      tpu.wait_indirect_dma semaphore(%arg13 : memref<!tpu.dma_semaphore, #tpu.memory_space<semaphore_mem>>) src(%dma_wait3A_57 : memref<10000x128xf32, #tpu.memory_space<hbm>>) dst(%arg10 : memref<128x128xf32, #tpu.memory_space<vmem>>)
      %add3A_58 = arith.constant 2 : i32
      %add3A_59 = arith.addi %mul3A_45, %add3A_58 : i32
      %add3A_60 = arith.addi %mul3A_4, %add3A_59 : i32
      %dma_start3A_61 = arith.constant 0 : i32
      %dma_start3A_62 = tpu.memref_slice %arg3[%add3A_60, %dma_start3A_61] : memref<2688x128xi32, #tpu.memory_space<hbm>> -> memref<1x128xi32, #tpu.memory_space<hbm>>
      %dma_start3A_63 = tpu.memref_squeeze %dma_start3A_62 : memref<1x128xi32, #tpu.memory_space<hbm>> -> memref<128xi32, #tpu.memory_space<hbm>>
      %dma_start3A_64 = arith.constant 0 : i32
      %dma_start3A_65 = tpu.memref_slice %arg3[%add3A_60, %dma_start3A_64] : memref<2688x128xi32, #tpu.memory_space<hbm>> -> memref<1x128xi32, #tpu.memory_space<hbm>>
      %dma_start3A_66 = tpu.memref_squeeze %dma_start3A_65 : memref<1x128xi32, #tpu.memory_space<hbm>> -> memref<128xi32, #tpu.memory_space<hbm>>
      tpu.enqueue_dma source(%dma_start3A_66 : memref<128xi32, #tpu.memory_space<hbm>>) target(%arg8 : memref<128xi32, #tpu.memory_space<vmem>>) target_semaphore(%arg15 : memref<!tpu.dma_semaphore, #tpu.memory_space<semaphore_mem>>)
      "tpu.region"() ({
        %run_scoped3A = tpu.sem_alloc : memref<!tpu.dma_semaphore, #tpu.memory_space<semaphore_mem>>
        %dma_start3A_90 = arith.constant 0 : i32
        %dma_start3A_91 = tpu.memref_slice %arg7[%mul3A_45, %dma_start3A_90] : memref<80x128xi32, #tpu.memory_space<vmem>> -> memref<1x128xi32, #tpu.memory_space<vmem>>
        %dma_start3A_92 = tpu.memref_squeeze %dma_start3A_91 : memref<1x128xi32, #tpu.memory_space<vmem>> -> memref<128xi32, #tpu.memory_space<vmem>>
        %dma_start3A_93 = arith.constant 0 : i32
        %dma_start3A_94 = arith.constant 0 : i32
        %dma_start3A_95 = tpu.memref_slice %arg12[%dma_start3A_93, %dma_start3A_94] : memref<10240x128xf32, #tpu.memory_space<vmem_shared>> -> memref<10240x128xf32, #tpu.memory_space<vmem_shared>>
        tpu.enqueue_indirect_dma source(%arg10 : memref<128x128xf32, #tpu.memory_space<vmem>>) target(%dma_start3A_95 : memref<10240x128xf32, #tpu.memory_space<vmem_shared>>) offsets(%dma_start3A_92 : memref<128xi32, #tpu.memory_space<vmem>>) semaphore(%run_scoped3A : memref<!tpu.dma_semaphore, #tpu.memory_space<semaphore_mem>>) {add = true}
        %dma_wait3A_96 = arith.constant 0 : i32
        %dma_wait3A_97 = tpu.memref_slice %arg7[%mul3A_45, %dma_wait3A_96] : memref<80x128xi32, #tpu.memory_space<vmem>> -> memref<1x128xi32, #tpu.memory_space<vmem>>
        %dma_wait3A_98 = tpu.memref_squeeze %dma_wait3A_97 : memref<1x128xi32, #tpu.memory_space<vmem>> -> memref<128xi32, #tpu.memory_space<vmem>>
        %dma_wait3A_99 = arith.constant 0 : i32
        %dma_wait3A_100 = arith.constant 0 : i32
        %dma_wait3A_101 = tpu.memref_slice %arg12[%dma_wait3A_99, %dma_wait3A_100] : memref<10240x128xf32, #tpu.memory_space<vmem_shared>> -> memref<10240x128xf32, #tpu.memory_space<vmem_shared>>
        tpu.wait_indirect_dma semaphore(%run_scoped3A : memref<!tpu.dma_semaphore, #tpu.memory_space<semaphore_mem>>) src(%arg10 : memref<128x128xf32, #tpu.memory_space<vmem>>) dst(%dma_wait3A_101 : memref<10240x128xf32, #tpu.memory_space<vmem_shared>>)
        tpu.yield
      }) : () -> ()
      %dma_wait3A_67 = arith.constant 0 : i32
      %dma_wait3A_68 = tpu.memref_slice %arg3[%mul3A_4, %dma_wait3A_67] : memref<2688x128xi32, #tpu.memory_space<hbm>> -> memref<1x128xi32, #tpu.memory_space<hbm>>
      %dma_wait3A_69 = tpu.memref_squeeze %dma_wait3A_68 : memref<1x128xi32, #tpu.memory_space<hbm>> -> memref<128xi32, #tpu.memory_space<hbm>>
      %dma_wait3A_70 = arith.constant 0 : i32
      %dma_wait3A_71 = tpu.memref_slice %arg3[%mul3A_4, %dma_wait3A_70] : memref<2688x128xi32, #tpu.memory_space<hbm>> -> memref<1x128xi32, #tpu.memory_space<hbm>>
      %dma_wait3A_72 = tpu.memref_squeeze %dma_wait3A_71 : memref<1x128xi32, #tpu.memory_space<hbm>> -> memref<128xi32, #tpu.memory_space<hbm>>
      tpu.wait_dma2 semaphore(%arg15 : memref<!tpu.dma_semaphore, #tpu.memory_space<semaphore_mem>>) src(%dma_wait3A_72 : memref<128xi32, #tpu.memory_space<hbm>>) dst(%arg8 : memref<128xi32, #tpu.memory_space<vmem>>)
      %dma_start3A_73 = arith.constant 0 : i32
      %dma_start3A_74 = arith.constant 0 : i32
      %dma_start3A_75 = tpu.memref_slice %arg2[%dma_start3A_73, %dma_start3A_74] : memref<10000x128xf32, #tpu.memory_space<hbm>> -> memref<10000x128xf32, #tpu.memory_space<hbm>>
      tpu.enqueue_indirect_dma source(%dma_start3A_75 : memref<10000x128xf32, #tpu.memory_space<hbm>>) target(%arg10 : memref<128x128xf32, #tpu.memory_space<vmem>>) offsets(%arg8 : memref<128xi32, #tpu.memory_space<vmem>>) semaphore(%arg13 : memref<!tpu.dma_semaphore, #tpu.memory_space<semaphore_mem>>)
      %dma_wait3A_76 = arith.constant 0 : i32
      %dma_wait3A_77 = arith.constant 0 : i32
      %dma_wait3A_78 = tpu.memref_slice %arg2[%dma_wait3A_76, %dma_wait3A_77] : memref<10000x128xf32, #tpu.memory_space<hbm>> -> memref<10000x128xf32, #tpu.memory_space<hbm>>
      tpu.wait_indirect_dma semaphore(%arg14 : memref<!tpu.dma_semaphore, #tpu.memory_space<semaphore_mem>>) src(%dma_wait3A_78 : memref<10000x128xf32, #tpu.memory_space<hbm>>) dst(%arg11 : memref<128x128xf32, #tpu.memory_space<vmem>>)
      %add3A_79 = arith.constant 3 : i32
      %add3A_80 = arith.addi %mul3A_45, %add3A_79 : i32
      %add3A_81 = arith.addi %mul3A_4, %add3A_80 : i32
      %dma_start3A_82 = arith.constant 0 : i32
      %dma_start3A_83 = tpu.memref_slice %arg3[%add3A_81, %dma_start3A_82] : memref<2688x128xi32, #tpu.memory_space<hbm>> -> memref<1x128xi32, #tpu.memory_space<hbm>>
      %dma_start3A_84 = tpu.memref_squeeze %dma_start3A_83 : memref<1x128xi32, #tpu.memory_space<hbm>> -> memref<128xi32, #tpu.memory_space<hbm>>
      %dma_start3A_85 = arith.constant 0 : i32
      %dma_start3A_86 = tpu.memref_slice %arg3[%add3A_81, %dma_start3A_85] : memref<2688x128xi32, #tpu.memory_space<hbm>> -> memref<1x128xi32, #tpu.memory_space<hbm>>
      %dma_start3A_87 = tpu.memref_squeeze %dma_start3A_86 : memref<1x128xi32, #tpu.memory_space<hbm>> -> memref<128xi32, #tpu.memory_space<hbm>>
      tpu.enqueue_dma source(%dma_start3A_87 : memref<128xi32, #tpu.memory_space<hbm>>) target(%arg9 : memref<128xi32, #tpu.memory_space<vmem>>) target_semaphore(%arg16 : memref<!tpu.dma_semaphore, #tpu.memory_space<semaphore_mem>>)
      %add3A_88 = arith.constant 1 : i32
      %add3A_89 = arith.addi %mul3A_45, %add3A_88 : i32
      "tpu.region"() ({
        %run_scoped3A = tpu.sem_alloc : memref<!tpu.dma_semaphore, #tpu.memory_space<semaphore_mem>>
        %dma_start3A_90 = arith.constant 0 : i32
        %dma_start3A_91 = tpu.memref_slice %arg7[%add3A_89, %dma_start3A_90] : memref<80x128xi32, #tpu.memory_space<vmem>> -> memref<1x128xi32, #tpu.memory_space<vmem>>
        %dma_start3A_92 = tpu.memref_squeeze %dma_start3A_91 : memref<1x128xi32, #tpu.memory_space<vmem>> -> memref<128xi32, #tpu.memory_space<vmem>>
        %dma_start3A_93 = arith.constant 0 : i32
        %dma_start3A_94 = arith.constant 0 : i32
        %dma_start3A_95 = tpu.memref_slice %arg12[%dma_start3A_93, %dma_start3A_94] : memref<10240x128xf32, #tpu.memory_space<vmem_shared>> -> memref<10240x128xf32, #tpu.memory_space<vmem_shared>>
        tpu.enqueue_indirect_dma source(%arg11 : memref<128x128xf32, #tpu.memory_space<vmem>>) target(%dma_start3A_95 : memref<10240x128xf32, #tpu.memory_space<vmem_shared>>) offsets(%dma_start3A_92 : memref<128xi32, #tpu.memory_space<vmem>>) semaphore(%run_scoped3A : memref<!tpu.dma_semaphore, #tpu.memory_space<semaphore_mem>>) {add = true}
        %dma_wait3A_96 = arith.constant 0 : i32
        %dma_wait3A_97 = tpu.memref_slice %arg7[%add3A_89, %dma_wait3A_96] : memref<80x128xi32, #tpu.memory_space<vmem>> -> memref<1x128xi32, #tpu.memory_space<vmem>>
        %dma_wait3A_98 = tpu.memref_squeeze %dma_wait3A_97 : memref<1x128xi32, #tpu.memory_space<vmem>> -> memref<128xi32, #tpu.memory_space<vmem>>
        %dma_wait3A_99 = arith.constant 0 : i32
        %dma_wait3A_100 = arith.constant 0 : i32
        %dma_wait3A_101 = tpu.memref_slice %arg12[%dma_wait3A_99, %dma_wait3A_100] : memref<10240x128xf32, #tpu.memory_space<vmem_shared>> -> memref<10240x128xf32, #tpu.memory_space<vmem_shared>>
        tpu.wait_indirect_dma semaphore(%run_scoped3A : memref<!tpu.dma_semaphore, #tpu.memory_space<semaphore_mem>>) src(%arg11 : memref<128x128xf32, #tpu.memory_space<vmem>>) dst(%dma_wait3A_101 : memref<10240x128xf32, #tpu.memory_space<vmem_shared>>)
        tpu.yield
      }) : () -> ()
    }
    %scan3A_32 = arith.constant 40 : i32
    %dma_wait3A_33 = arith.constant 0 : i32
    %dma_wait3A_34 = arith.constant 0 : i32
    %dma_wait3A_35 = tpu.memref_slice %arg2[%dma_wait3A_33, %dma_wait3A_34] : memref<10000x128xf32, #tpu.memory_space<hbm>> -> memref<10000x128xf32, #tpu.memory_space<hbm>>
    tpu.wait_indirect_dma semaphore(%arg13 : memref<!tpu.dma_semaphore, #tpu.memory_space<semaphore_mem>>) src(%dma_wait3A_35 : memref<10000x128xf32, #tpu.memory_space<hbm>>) dst(%arg10 : memref<128x128xf32, #tpu.memory_space<vmem>>)
    %dma_wait3A_36 = arith.constant 0 : i32
    %dma_wait3A_37 = tpu.memref_slice %arg3[%mul3A_4, %dma_wait3A_36] : memref<2688x128xi32, #tpu.memory_space<hbm>> -> memref<1x128xi32, #tpu.memory_space<hbm>>
    %dma_wait3A_38 = tpu.memref_squeeze %dma_wait3A_37 : memref<1x128xi32, #tpu.memory_space<hbm>> -> memref<128xi32, #tpu.memory_space<hbm>>
    %dma_wait3A_39 = arith.constant 0 : i32
    %dma_wait3A_40 = tpu.memref_slice %arg3[%mul3A_4, %dma_wait3A_39] : memref<2688x128xi32, #tpu.memory_space<hbm>> -> memref<1x128xi32, #tpu.memory_space<hbm>>
    %dma_wait3A_41 = tpu.memref_squeeze %dma_wait3A_40 : memref<1x128xi32, #tpu.memory_space<hbm>> -> memref<128xi32, #tpu.memory_space<hbm>>
    tpu.wait_dma2 semaphore(%arg16 : memref<!tpu.dma_semaphore, #tpu.memory_space<semaphore_mem>>) src(%dma_wait3A_41 : memref<128xi32, #tpu.memory_space<hbm>>) dst(%arg9 : memref<128xi32, #tpu.memory_space<vmem>>)
    %barrier3A_42 = arith.constant 0 : index
    tpu.barrier barrier_id(%barrier3A_42)
    "tpu.region"() ({
      %run_scoped3A = tpu.sem_alloc : memref<!tpu.dma_semaphore, #tpu.memory_space<semaphore_mem>>
      %dma_start3A_43 = arith.constant 0 : i32
      %dma_start3A_44 = tpu.memref_slice %arg6[%arg0, %mul3A_2, %dma_start3A_43] : memref<2x10240x128xf32, #tpu.memory_space<hbm>> -> memref<1x640x128xf32, #tpu.memory_space<hbm>>
      %dma_start3A_45 = tpu.memref_squeeze %dma_start3A_44 : memref<1x640x128xf32, #tpu.memory_space<hbm>> -> memref<640x128xf32, #tpu.memory_space<hbm>>
      %dma_start3A_46 = arith.constant 0 : i32
      %dma_start3A_47 = tpu.memref_slice %arg12[%mul3A_2, %dma_start3A_46] : memref<10240x128xf32, #tpu.memory_space<vmem_shared>> -> memref<640x128xf32, #tpu.memory_space<vmem_shared>>
      tpu.enqueue_dma source(%dma_start3A_47 : memref<640x128xf32, #tpu.memory_space<vmem_shared>>) target(%dma_start3A_45 : memref<640x128xf32, #tpu.memory_space<hbm>>) target_semaphore(%run_scoped3A : memref<!tpu.dma_semaphore, #tpu.memory_space<semaphore_mem>>)
      %dma_wait3A_48 = arith.constant 0 : i32
      %dma_wait3A_49 = tpu.memref_slice %arg6[%arg0, %mul3A_2, %dma_wait3A_48] : memref<2x10240x128xf32, #tpu.memory_space<hbm>> -> memref<1x640x128xf32, #tpu.memory_space<hbm>>
      %dma_wait3A_50 = tpu.memref_squeeze %dma_wait3A_49 : memref<1x640x128xf32, #tpu.memory_space<hbm>> -> memref<640x128xf32, #tpu.memory_space<hbm>>
      %dma_wait3A_51 = arith.constant 0 : i32
      %dma_wait3A_52 = tpu.memref_slice %arg12[%mul3A_2, %dma_wait3A_51] : memref<10240x128xf32, #tpu.memory_space<vmem_shared>> -> memref<640x128xf32, #tpu.memory_space<vmem_shared>>
      tpu.wait_dma2 semaphore(%run_scoped3A : memref<!tpu.dma_semaphore, #tpu.memory_space<semaphore_mem>>) src(%dma_wait3A_52 : memref<640x128xf32, #tpu.memory_space<vmem_shared>>) dst(%dma_wait3A_50 : memref<640x128xf32, #tpu.memory_space<hbm>>)
      tpu.yield
    }) : () -> ()
    return
  }
}

#map = affine_map<(d0, d1) -> (0, 0)>
#map1 = affine_map<(d0, d1) -> (0, 0, 0)>
module attributes {stable_mosaic.version = 14 : i64} {
  func.func @sage_agg48(%arg0: i32, %arg1: i32, %arg2: memref<10000x48xf32, #tpu.memory_space<hbm>>, %arg3: memref<2688x128xi32, #tpu.memory_space<hbm>>, %arg4: memref<2688x128xi32, #tpu.memory_space<hbm>>, %arg5: memref<10240x48xf32, #tpu.memory_space<hbm>>, %arg6: memref<2x10240x48xf32, #tpu.memory_space<hbm>>, %arg7: memref<80x128xi32, #tpu.memory_space<vmem>>, %arg8: memref<82x128xi32, #tpu.memory_space<vmem>>, %arg9: memref<128xi32, #tpu.memory_space<vmem>>, %arg10: memref<128x48xf32, #tpu.memory_space<vmem>>, %arg11: memref<128x48xf32, #tpu.memory_space<vmem>>, %arg12: memref<10240x48xf32, #tpu.memory_space<vmem_shared>>, %arg13: memref<!tpu.dma_semaphore, #tpu.memory_space<semaphore_mem>>, %arg14: memref<!tpu.dma_semaphore, #tpu.memory_space<semaphore_mem>>, %arg15: memref<!tpu.dma_semaphore, #tpu.memory_space<semaphore_mem>>, %arg16: memref<!tpu.dma_semaphore, #tpu.memory_space<semaphore_mem>>, %arg17: memref<!tpu.dma_semaphore, #tpu.memory_space<semaphore_mem>>, %arg18: memref<!tpu.dma_semaphore, #tpu.memory_space<semaphore_mem>>) attributes {dimension_semantics = [#tpu.dimension_semantics<core_parallel>, #tpu.dimension_semantics<subcore_parallel>], iteration_bounds = array<i64: 2, 16>, scalar_prefetch = 0 : i64, scratch_operands = 12 : i64, tpu.core_type = #tpu.core_type<sc_vector_subcore>, window_params = [{transform_indices = #map}, {transform_indices = #map}, {transform_indices = #map}, {transform_indices = #map}, {transform_indices = #map1}]} {
    %mul3A = arith.constant 2 : i32
    %mul3A_0 = arith.muli %arg1, %mul3A : i32
    %add3A = arith.addi %mul3A_0, %arg0 : i32
    %mul3A_1 = arith.constant 640 : i32
    %mul3A_2 = arith.muli %arg1, %mul3A_1 : i32
    %mul3A_3 = arith.constant 80 : i32
    %mul3A_4 = arith.muli %add3A, %mul3A_3 : i32
    "tpu.region"() ({
      %run_scoped3A = tpu.sem_alloc : memref<!tpu.dma_semaphore, #tpu.memory_space<semaphore_mem>>
      %dma_start3A_19 = arith.constant 0 : i32
      %dma_start3A_20 = tpu.memref_slice %arg12[%mul3A_2, %dma_start3A_19] : memref<10240x48xf32, #tpu.memory_space<vmem_shared>> -> memref<640x48xf32, #tpu.memory_space<vmem_shared>>
      %dma_start3A_21 = arith.constant 0 : i32
      %dma_start3A_22 = tpu.memref_slice %arg5[%mul3A_2, %dma_start3A_21] : memref<10240x48xf32, #tpu.memory_space<hbm>> -> memref<640x48xf32, #tpu.memory_space<hbm>>
      tpu.enqueue_dma source(%dma_start3A_22 : memref<640x48xf32, #tpu.memory_space<hbm>>) target(%dma_start3A_20 : memref<640x48xf32, #tpu.memory_space<vmem_shared>>) target_semaphore(%run_scoped3A : memref<!tpu.dma_semaphore, #tpu.memory_space<semaphore_mem>>)
      %dma_wait3A_23 = arith.constant 0 : i32
      %dma_wait3A_24 = tpu.memref_slice %arg12[%mul3A_2, %dma_wait3A_23] : memref<10240x48xf32, #tpu.memory_space<vmem_shared>> -> memref<640x48xf32, #tpu.memory_space<vmem_shared>>
      %dma_wait3A_25 = arith.constant 0 : i32
      %dma_wait3A_26 = tpu.memref_slice %arg5[%mul3A_2, %dma_wait3A_25] : memref<10240x48xf32, #tpu.memory_space<hbm>> -> memref<640x48xf32, #tpu.memory_space<hbm>>
      tpu.wait_dma2 semaphore(%run_scoped3A : memref<!tpu.dma_semaphore, #tpu.memory_space<semaphore_mem>>) src(%dma_wait3A_26 : memref<640x48xf32, #tpu.memory_space<hbm>>) dst(%dma_wait3A_24 : memref<640x48xf32, #tpu.memory_space<vmem_shared>>)
      tpu.yield
    }) : () -> ()
    "tpu.region"() ({
      %run_scoped3A = tpu.sem_alloc : memref<!tpu.dma_semaphore, #tpu.memory_space<semaphore_mem>>
      %dma_start3A_19 = arith.constant 0 : i32
      %dma_start3A_20 = tpu.memref_slice %arg4[%mul3A_4, %dma_start3A_19] : memref<2688x128xi32, #tpu.memory_space<hbm>> -> memref<80x128xi32, #tpu.memory_space<hbm>>
      %dma_start3A_21 = arith.constant 0 : i32
      %dma_start3A_22 = tpu.memref_slice %arg4[%mul3A_4, %dma_start3A_21] : memref<2688x128xi32, #tpu.memory_space<hbm>> -> memref<80x128xi32, #tpu.memory_space<hbm>>
      tpu.enqueue_dma source(%dma_start3A_22 : memref<80x128xi32, #tpu.memory_space<hbm>>) target(%arg7 : memref<80x128xi32, #tpu.memory_space<vmem>>) target_semaphore(%run_scoped3A : memref<!tpu.dma_semaphore, #tpu.memory_space<semaphore_mem>>)
      %dma_wait3A_23 = arith.constant 0 : i32
      %dma_wait3A_24 = tpu.memref_slice %arg4[%mul3A_4, %dma_wait3A_23] : memref<2688x128xi32, #tpu.memory_space<hbm>> -> memref<80x128xi32, #tpu.memory_space<hbm>>
      %dma_wait3A_25 = arith.constant 0 : i32
      %dma_wait3A_26 = tpu.memref_slice %arg4[%mul3A_4, %dma_wait3A_25] : memref<2688x128xi32, #tpu.memory_space<hbm>> -> memref<80x128xi32, #tpu.memory_space<hbm>>
      tpu.wait_dma2 semaphore(%run_scoped3A : memref<!tpu.dma_semaphore, #tpu.memory_space<semaphore_mem>>) src(%dma_wait3A_26 : memref<80x128xi32, #tpu.memory_space<hbm>>) dst(%arg7 : memref<80x128xi32, #tpu.memory_space<vmem>>)
      tpu.yield
    }) : () -> ()
    "tpu.region"() ({
      %run_scoped3A = tpu.sem_alloc : memref<!tpu.dma_semaphore, #tpu.memory_space<semaphore_mem>>
      %dma_start3A_19 = arith.constant 0 : i32
      %dma_start3A_20 = tpu.memref_slice %arg3[%mul3A_4, %dma_start3A_19] : memref<2688x128xi32, #tpu.memory_space<hbm>> -> memref<82x128xi32, #tpu.memory_space<hbm>>
      %dma_start3A_21 = arith.constant 0 : i32
      %dma_start3A_22 = tpu.memref_slice %arg3[%mul3A_4, %dma_start3A_21] : memref<2688x128xi32, #tpu.memory_space<hbm>> -> memref<82x128xi32, #tpu.memory_space<hbm>>
      tpu.enqueue_dma source(%dma_start3A_22 : memref<82x128xi32, #tpu.memory_space<hbm>>) target(%arg8 : memref<82x128xi32, #tpu.memory_space<vmem>>) target_semaphore(%run_scoped3A : memref<!tpu.dma_semaphore, #tpu.memory_space<semaphore_mem>>)
      %dma_wait3A_23 = arith.constant 0 : i32
      %dma_wait3A_24 = tpu.memref_slice %arg3[%mul3A_4, %dma_wait3A_23] : memref<2688x128xi32, #tpu.memory_space<hbm>> -> memref<82x128xi32, #tpu.memory_space<hbm>>
      %dma_wait3A_25 = arith.constant 0 : i32
      %dma_wait3A_26 = tpu.memref_slice %arg3[%mul3A_4, %dma_wait3A_25] : memref<2688x128xi32, #tpu.memory_space<hbm>> -> memref<82x128xi32, #tpu.memory_space<hbm>>
      tpu.wait_dma2 semaphore(%run_scoped3A : memref<!tpu.dma_semaphore, #tpu.memory_space<semaphore_mem>>) src(%dma_wait3A_26 : memref<82x128xi32, #tpu.memory_space<hbm>>) dst(%arg8 : memref<82x128xi32, #tpu.memory_space<vmem>>)
      tpu.yield
    }) : () -> ()
    %barrier3A = arith.constant 0 : index
    tpu.barrier barrier_id(%barrier3A)
    %dma_start3A = arith.constant 0 : i32
    %dma_start3A_5 = arith.constant 0 : i32
    %dma_start3A_6 = tpu.memref_slice %arg8[%dma_start3A, %dma_start3A_5] : memref<82x128xi32, #tpu.memory_space<vmem>> -> memref<1x128xi32, #tpu.memory_space<vmem>>
    %dma_start3A_7 = tpu.memref_squeeze %dma_start3A_6 : memref<1x128xi32, #tpu.memory_space<vmem>> -> memref<128xi32, #tpu.memory_space<vmem>>
    %dma_start3A_8 = arith.constant 0 : i32
    %dma_start3A_9 = arith.constant 0 : i32
    %dma_start3A_10 = tpu.memref_slice %arg2[%dma_start3A_8, %dma_start3A_9] : memref<10000x48xf32, #tpu.memory_space<hbm>> -> memref<10000x48xf32, #tpu.memory_space<hbm>>
    tpu.enqueue_indirect_dma source(%dma_start3A_10 : memref<10000x48xf32, #tpu.memory_space<hbm>>) target(%arg10 : memref<128x48xf32, #tpu.memory_space<vmem>>) offsets(%dma_start3A_7 : memref<128xi32, #tpu.memory_space<vmem>>) semaphore(%arg13 : memref<!tpu.dma_semaphore, #tpu.memory_space<semaphore_mem>>)
    %scan3A = arith.constant 0 : i32
    %scan3A_11 = arith.constant 0 : i32
    %scan3A_12 = arith.constant 40 : i32
    %scan3A_13 = arith.addi %scan3A_11, %scan3A_12 : i32
    %scan3A_14 = arith.constant 1 : i32
    scf.for %scan3A_19 = %scan3A_11 to %scan3A_13 step %scan3A_14  : i32 {
      %mul3A_20 = arith.constant 2 : i32
      %mul3A_21 = arith.muli %mul3A_20, %scan3A_19 : i32
      %add3A_22 = arith.constant 1 : i32
      %add3A_23 = arith.addi %mul3A_21, %add3A_22 : i32
      %dma_start3A_24 = arith.constant 0 : i32
      %dma_start3A_25 = tpu.memref_slice %arg8[%add3A_23, %dma_start3A_24] : memref<82x128xi32, #tpu.memory_space<vmem>> -> memref<1x128xi32, #tpu.memory_space<vmem>>
      %dma_start3A_26 = tpu.memref_squeeze %dma_start3A_25 : memref<1x128xi32, #tpu.memory_space<vmem>> -> memref<128xi32, #tpu.memory_space<vmem>>
      %dma_start3A_27 = arith.constant 0 : i32
      %dma_start3A_28 = arith.constant 0 : i32
      %dma_start3A_29 = tpu.memref_slice %arg2[%dma_start3A_27, %dma_start3A_28] : memref<10000x48xf32, #tpu.memory_space<hbm>> -> memref<10000x48xf32, #tpu.memory_space<hbm>>
      tpu.enqueue_indirect_dma source(%dma_start3A_29 : memref<10000x48xf32, #tpu.memory_space<hbm>>) target(%arg11 : memref<128x48xf32, #tpu.memory_space<vmem>>) offsets(%dma_start3A_26 : memref<128xi32, #tpu.memory_space<vmem>>) semaphore(%arg14 : memref<!tpu.dma_semaphore, #tpu.memory_space<semaphore_mem>>)
      %dma_wait3A_30 = arith.constant 0 : i32
      %dma_wait3A_31 = arith.constant 0 : i32
      %dma_wait3A_32 = tpu.memref_slice %arg2[%dma_wait3A_30, %dma_wait3A_31] : memref<10000x48xf32, #tpu.memory_space<hbm>> -> memref<10000x48xf32, #tpu.memory_space<hbm>>
      tpu.wait_indirect_dma semaphore(%arg13 : memref<!tpu.dma_semaphore, #tpu.memory_space<semaphore_mem>>) src(%dma_wait3A_32 : memref<10000x48xf32, #tpu.memory_space<hbm>>) dst(%arg10 : memref<128x48xf32, #tpu.memory_space<vmem>>)
      "tpu.region"() ({
        %run_scoped3A = tpu.sem_alloc : memref<!tpu.dma_semaphore, #tpu.memory_space<semaphore_mem>>
        %dma_start3A_46 = arith.constant 0 : i32
        %dma_start3A_47 = tpu.memref_slice %arg7[%mul3A_21, %dma_start3A_46] : memref<80x128xi32, #tpu.memory_space<vmem>> -> memref<1x128xi32, #tpu.memory_space<vmem>>
        %dma_start3A_48 = tpu.memref_squeeze %dma_start3A_47 : memref<1x128xi32, #tpu.memory_space<vmem>> -> memref<128xi32, #tpu.memory_space<vmem>>
        %dma_start3A_49 = arith.constant 0 : i32
        %dma_start3A_50 = arith.constant 0 : i32
        %dma_start3A_51 = tpu.memref_slice %arg12[%dma_start3A_49, %dma_start3A_50] : memref<10240x48xf32, #tpu.memory_space<vmem_shared>> -> memref<10240x48xf32, #tpu.memory_space<vmem_shared>>
        tpu.enqueue_indirect_dma source(%arg10 : memref<128x48xf32, #tpu.memory_space<vmem>>) target(%dma_start3A_51 : memref<10240x48xf32, #tpu.memory_space<vmem_shared>>) offsets(%dma_start3A_48 : memref<128xi32, #tpu.memory_space<vmem>>) semaphore(%run_scoped3A : memref<!tpu.dma_semaphore, #tpu.memory_space<semaphore_mem>>) {add = true}
        %dma_wait3A_52 = arith.constant 0 : i32
        %dma_wait3A_53 = tpu.memref_slice %arg7[%mul3A_21, %dma_wait3A_52] : memref<80x128xi32, #tpu.memory_space<vmem>> -> memref<1x128xi32, #tpu.memory_space<vmem>>
        %dma_wait3A_54 = tpu.memref_squeeze %dma_wait3A_53 : memref<1x128xi32, #tpu.memory_space<vmem>> -> memref<128xi32, #tpu.memory_space<vmem>>
        %dma_wait3A_55 = arith.constant 0 : i32
        %dma_wait3A_56 = arith.constant 0 : i32
        %dma_wait3A_57 = tpu.memref_slice %arg12[%dma_wait3A_55, %dma_wait3A_56] : memref<10240x48xf32, #tpu.memory_space<vmem_shared>> -> memref<10240x48xf32, #tpu.memory_space<vmem_shared>>
        tpu.wait_indirect_dma semaphore(%run_scoped3A : memref<!tpu.dma_semaphore, #tpu.memory_space<semaphore_mem>>) src(%arg10 : memref<128x48xf32, #tpu.memory_space<vmem>>) dst(%dma_wait3A_57 : memref<10240x48xf32, #tpu.memory_space<vmem_shared>>)
        tpu.yield
      }) : () -> ()
      %add3A_33 = arith.constant 2 : i32
      %add3A_34 = arith.addi %mul3A_21, %add3A_33 : i32
      %dma_start3A_35 = arith.constant 0 : i32
      %dma_start3A_36 = tpu.memref_slice %arg8[%add3A_34, %dma_start3A_35] : memref<82x128xi32, #tpu.memory_space<vmem>> -> memref<1x128xi32, #tpu.memory_space<vmem>>
      %dma_start3A_37 = tpu.memref_squeeze %dma_start3A_36 : memref<1x128xi32, #tpu.memory_space<vmem>> -> memref<128xi32, #tpu.memory_space<vmem>>
      %dma_start3A_38 = arith.constant 0 : i32
      %dma_start3A_39 = arith.constant 0 : i32
      %dma_start3A_40 = tpu.memref_slice %arg2[%dma_start3A_38, %dma_start3A_39] : memref<10000x48xf32, #tpu.memory_space<hbm>> -> memref<10000x48xf32, #tpu.memory_space<hbm>>
      tpu.enqueue_indirect_dma source(%dma_start3A_40 : memref<10000x48xf32, #tpu.memory_space<hbm>>) target(%arg10 : memref<128x48xf32, #tpu.memory_space<vmem>>) offsets(%dma_start3A_37 : memref<128xi32, #tpu.memory_space<vmem>>) semaphore(%arg13 : memref<!tpu.dma_semaphore, #tpu.memory_space<semaphore_mem>>)
      %dma_wait3A_41 = arith.constant 0 : i32
      %dma_wait3A_42 = arith.constant 0 : i32
      %dma_wait3A_43 = tpu.memref_slice %arg2[%dma_wait3A_41, %dma_wait3A_42] : memref<10000x48xf32, #tpu.memory_space<hbm>> -> memref<10000x48xf32, #tpu.memory_space<hbm>>
      tpu.wait_indirect_dma semaphore(%arg14 : memref<!tpu.dma_semaphore, #tpu.memory_space<semaphore_mem>>) src(%dma_wait3A_43 : memref<10000x48xf32, #tpu.memory_space<hbm>>) dst(%arg11 : memref<128x48xf32, #tpu.memory_space<vmem>>)
      %add3A_44 = arith.constant 1 : i32
      %add3A_45 = arith.addi %mul3A_21, %add3A_44 : i32
      "tpu.region"() ({
        %run_scoped3A = tpu.sem_alloc : memref<!tpu.dma_semaphore, #tpu.memory_space<semaphore_mem>>
        %dma_start3A_46 = arith.constant 0 : i32
        %dma_start3A_47 = tpu.memref_slice %arg7[%add3A_45, %dma_start3A_46] : memref<80x128xi32, #tpu.memory_space<vmem>> -> memref<1x128xi32, #tpu.memory_space<vmem>>
        %dma_start3A_48 = tpu.memref_squeeze %dma_start3A_47 : memref<1x128xi32, #tpu.memory_space<vmem>> -> memref<128xi32, #tpu.memory_space<vmem>>
        %dma_start3A_49 = arith.constant 0 : i32
        %dma_start3A_50 = arith.constant 0 : i32
        %dma_start3A_51 = tpu.memref_slice %arg12[%dma_start3A_49, %dma_start3A_50] : memref<10240x48xf32, #tpu.memory_space<vmem_shared>> -> memref<10240x48xf32, #tpu.memory_space<vmem_shared>>
        tpu.enqueue_indirect_dma source(%arg11 : memref<128x48xf32, #tpu.memory_space<vmem>>) target(%dma_start3A_51 : memref<10240x48xf32, #tpu.memory_space<vmem_shared>>) offsets(%dma_start3A_48 : memref<128xi32, #tpu.memory_space<vmem>>) semaphore(%run_scoped3A : memref<!tpu.dma_semaphore, #tpu.memory_space<semaphore_mem>>) {add = true}
        %dma_wait3A_52 = arith.constant 0 : i32
        %dma_wait3A_53 = tpu.memref_slice %arg7[%add3A_45, %dma_wait3A_52] : memref<80x128xi32, #tpu.memory_space<vmem>> -> memref<1x128xi32, #tpu.memory_space<vmem>>
        %dma_wait3A_54 = tpu.memref_squeeze %dma_wait3A_53 : memref<1x128xi32, #tpu.memory_space<vmem>> -> memref<128xi32, #tpu.memory_space<vmem>>
        %dma_wait3A_55 = arith.constant 0 : i32
        %dma_wait3A_56 = arith.constant 0 : i32
        %dma_wait3A_57 = tpu.memref_slice %arg12[%dma_wait3A_55, %dma_wait3A_56] : memref<10240x48xf32, #tpu.memory_space<vmem_shared>> -> memref<10240x48xf32, #tpu.memory_space<vmem_shared>>
        tpu.wait_indirect_dma semaphore(%run_scoped3A : memref<!tpu.dma_semaphore, #tpu.memory_space<semaphore_mem>>) src(%arg11 : memref<128x48xf32, #tpu.memory_space<vmem>>) dst(%dma_wait3A_57 : memref<10240x48xf32, #tpu.memory_space<vmem_shared>>)
        tpu.yield
      }) : () -> ()
    }
    %scan3A_15 = arith.constant 40 : i32
    %dma_wait3A = arith.constant 0 : i32
    %dma_wait3A_16 = arith.constant 0 : i32
    %dma_wait3A_17 = tpu.memref_slice %arg2[%dma_wait3A, %dma_wait3A_16] : memref<10000x48xf32, #tpu.memory_space<hbm>> -> memref<10000x48xf32, #tpu.memory_space<hbm>>
    tpu.wait_indirect_dma semaphore(%arg13 : memref<!tpu.dma_semaphore, #tpu.memory_space<semaphore_mem>>) src(%dma_wait3A_17 : memref<10000x48xf32, #tpu.memory_space<hbm>>) dst(%arg10 : memref<128x48xf32, #tpu.memory_space<vmem>>)
    %barrier3A_18 = arith.constant 0 : index
    tpu.barrier barrier_id(%barrier3A_18)
    "tpu.region"() ({
      %run_scoped3A = tpu.sem_alloc : memref<!tpu.dma_semaphore, #tpu.memory_space<semaphore_mem>>
      %dma_start3A_19 = arith.constant 0 : i32
      %dma_start3A_20 = tpu.memref_slice %arg6[%arg0, %mul3A_2, %dma_start3A_19] : memref<2x10240x48xf32, #tpu.memory_space<hbm>> -> memref<1x640x48xf32, #tpu.memory_space<hbm>>
      %dma_start3A_21 = tpu.memref_squeeze %dma_start3A_20 : memref<1x640x48xf32, #tpu.memory_space<hbm>> -> memref<640x48xf32, #tpu.memory_space<hbm>>
      %dma_start3A_22 = arith.constant 0 : i32
      %dma_start3A_23 = tpu.memref_slice %arg12[%mul3A_2, %dma_start3A_22] : memref<10240x48xf32, #tpu.memory_space<vmem_shared>> -> memref<640x48xf32, #tpu.memory_space<vmem_shared>>
      tpu.enqueue_dma source(%dma_start3A_23 : memref<640x48xf32, #tpu.memory_space<vmem_shared>>) target(%dma_start3A_21 : memref<640x48xf32, #tpu.memory_space<hbm>>) target_semaphore(%run_scoped3A : memref<!tpu.dma_semaphore, #tpu.memory_space<semaphore_mem>>)
      %dma_wait3A_24 = arith.constant 0 : i32
      %dma_wait3A_25 = tpu.memref_slice %arg6[%arg0, %mul3A_2, %dma_wait3A_24] : memref<2x10240x48xf32, #tpu.memory_space<hbm>> -> memref<1x640x48xf32, #tpu.memory_space<hbm>>
      %dma_wait3A_26 = tpu.memref_squeeze %dma_wait3A_25 : memref<1x640x48xf32, #tpu.memory_space<hbm>> -> memref<640x48xf32, #tpu.memory_space<hbm>>
      %dma_wait3A_27 = arith.constant 0 : i32
      %dma_wait3A_28 = tpu.memref_slice %arg12[%mul3A_2, %dma_wait3A_27] : memref<10240x48xf32, #tpu.memory_space<vmem_shared>> -> memref<640x48xf32, #tpu.memory_space<vmem_shared>>
      tpu.wait_dma2 semaphore(%run_scoped3A : memref<!tpu.dma_semaphore, #tpu.memory_space<semaphore_mem>>) src(%dma_wait3A_28 : memref<640x48xf32, #tpu.memory_space<vmem_shared>>) dst(%dma_wait3A_26 : memref<640x48xf32, #tpu.memory_space<hbm>>)
      tpu.yield
    }) : () -> ()
    return
  }
}

module attributes {stable_mosaic.version = 14 : i64} {
  func.func @_mm_in_body(%arg0: i32, %arg1: memref<2000x128xf32, #tpu.memory_space<vmem>>, %arg2: memref<128x128xf32, #tpu.memory_space<vmem>>, %arg3: memref<128x128xf32, #tpu.memory_space<vmem>>, %arg4: memref<1x128xf32, #tpu.memory_space<vmem>>, %arg5: memref<2000x128xf32, #tpu.memory_space<vmem>>, %arg6: memref<2000x128xf32, #tpu.memory_space<vmem>>) attributes {dimension_semantics = [#tpu.dimension_semantics<arbitrary>], iteration_bounds = array<i64: 5>, scalar_prefetch = 0 : i64, scratch_operands = 0 : i64, tpu.core_type = #tpu.core_type<tc>, window_params = [{transform_indices = @transform_0, window_bounds = array<i64: 2000, 128>}, {pipeline_mode = #tpu.pipeline_mode<synchronous>, transform_indices = @transform_1, window_bounds = array<i64: 128, 128>}, {pipeline_mode = #tpu.pipeline_mode<synchronous>, transform_indices = @transform_2, window_bounds = array<i64: 128, 128>}, {pipeline_mode = #tpu.pipeline_mode<synchronous>, transform_indices = @transform_3, window_bounds = array<i64: 1, 128>}, {transform_indices = @transform_4, window_bounds = array<i64: 2000, 128>}, {transform_indices = @transform_5, window_bounds = array<i64: 2000, 128>}]} {
    %get3A = arith.constant 0 : index
    %get3A_0 = arith.constant 0 : index
    %get3A_1 = vector.load %arg1[%get3A, %get3A_0] : memref<2000x128xf32, #tpu.memory_space<vmem>>, vector<2000x128xf32>
    %get3A_2 = arith.constant 0 : index
    %get3A_3 = arith.constant 0 : index
    %get3A_4 = vector.load %arg2[%get3A_2, %get3A_3] : memref<128x128xf32, #tpu.memory_space<vmem>>, vector<128x128xf32>
    %dot_general3A = arith.constant dense<0.000000e+00> : vector<2000x128xf32>
    %dot_general3A_5 = tpu.matmul %get3A_1, %get3A_4, %dot_general3A {dimension_numbers = #tpu.dot_dimension_numbers<[1], [0], [0], [1], [0, 0, 1, 1], [], []>, transpose_lhs_hint = false} : vector<2000x128xf32>, vector<128x128xf32>, vector<2000x128xf32> -> vector<2000x128xf32>
    %get3A_6 = arith.constant 0 : index
    %get3A_7 = arith.constant 0 : index
    %get3A_8 = vector.load %arg4[%get3A_6, %get3A_7] : memref<1x128xf32, #tpu.memory_space<vmem>>, vector<1x128xf32>
    %add3A = vector.broadcast %get3A_8 : vector<1x128xf32> to vector<2000x128xf32>
    %add3A_9 = arith.addf %dot_general3A_5, %add3A : vector<2000x128xf32>
    %swap3A = arith.constant 0 : index
    %swap3A_10 = arith.constant 0 : index
    %swap3A_11 = vector.load %arg5[%swap3A, %swap3A_10] : memref<2000x128xf32, #tpu.memory_space<vmem>>, vector<2000x128xf32>
    tpu.vector_store %arg5[%swap3A, %swap3A_10], %add3A_9 {strides = array<i32>} : memref<2000x128xf32, #tpu.memory_space<vmem>>, vector<2000x128xf32>,
    %get3A_12 = arith.constant 0 : index
    %get3A_13 = arith.constant 0 : index
    %get3A_14 = vector.load %arg3[%get3A_12, %get3A_13] : memref<128x128xf32, #tpu.memory_space<vmem>>, vector<128x128xf32>
    %dot_general3A_15 = arith.constant dense<0.000000e+00> : vector<2000x128xf32>
    %dot_general3A_16 = tpu.matmul %get3A_1, %get3A_14, %dot_general3A_15 {dimension_numbers = #tpu.dot_dimension_numbers<[1], [0], [0], [1], [0, 0, 1, 1], [], []>, transpose_lhs_hint = false} : vector<2000x128xf32>, vector<128x128xf32>, vector<2000x128xf32> -> vector<2000x128xf32>
    %swap3A_17 = arith.constant 0 : index
    %swap3A_18 = arith.constant 0 : index
    %swap3A_19 = vector.load %arg6[%swap3A_17, %swap3A_18] : memref<2000x128xf32, #tpu.memory_space<vmem>>, vector<2000x128xf32>
    tpu.vector_store %arg6[%swap3A_17, %swap3A_18], %dot_general3A_16 {strides = array<i32>} : memref<2000x128xf32, #tpu.memory_space<vmem>>, vector<2000x128xf32>,
    return
  }
  func.func @transform_0(%arg0: i32) -> (i32, i32) {
    %c0_i32 = arith.constant 0 : i32
    %c0_i32_0 = arith.constant 0 : i32
    return %arg0, %c0_i32 : i32, i32
  }
  func.func @transform_1(%arg0: i32) -> (i32, i32) {
    %c0_i32 = arith.constant 0 : i32
    %c0_i32_0 = arith.constant 0 : i32
    %c0_i32_1 = arith.constant 0 : i32
    return %c0_i32, %c0_i32_0 : i32, i32
  }
  func.func @transform_2(%arg0: i32) -> (i32, i32) {
    %c0_i32 = arith.constant 0 : i32
    %c0_i32_0 = arith.constant 0 : i32
    %c0_i32_1 = arith.constant 0 : i32
    return %c0_i32, %c0_i32_0 : i32, i32
  }
  func.func @transform_3(%arg0: i32) -> (i32, i32) {
    %c0_i32 = arith.constant 0 : i32
    %c0_i32_0 = arith.constant 0 : i32
    %c0_i32_1 = arith.constant 0 : i32
    return %c0_i32, %c0_i32_0 : i32, i32
  }
  func.func @transform_4(%arg0: i32) -> (i32, i32) {
    %c0_i32 = arith.constant 0 : i32
    %c0_i32_0 = arith.constant 0 : i32
    return %arg0, %c0_i32 : i32, i32
  }
  func.func @transform_5(%arg0: i32) -> (i32, i32) {
    %c0_i32 = arith.constant 0 : i32
    %c0_i32_0 = arith.constant 0 : i32
    return %arg0, %c0_i32 : i32, i32
  }
}

module attributes {stable_mosaic.version = 14 : i64} {
  func.func @_comb_body(%arg0: i32, %arg1: memref<2000x128xf32, #tpu.memory_space<vmem>>, %arg2: memref<2x2000x128xf32, #tpu.memory_space<vmem>>, %arg3: memref<2x2000x16xf32, #tpu.memory_space<vmem>>, %arg4: memref<128x128xf32, #tpu.memory_space<vmem>>, %arg5: memref<128x128xf32, #tpu.memory_space<vmem>>, %arg6: memref<1x128xf32, #tpu.memory_space<vmem>>, %arg7: memref<2000x128xf32, #tpu.memory_space<vmem>>, %arg8: memref<2000x128xf32, #tpu.memory_space<vmem>>) attributes {dimension_semantics = [#tpu.dimension_semantics<arbitrary>], iteration_bounds = array<i64: 5>, scalar_prefetch = 0 : i64, scratch_operands = 0 : i64, tpu.core_type = #tpu.core_type<tc>, window_params = [{transform_indices = @transform_0, window_bounds = array<i64: 2000, 128>}, {transform_indices = @transform_1, window_bounds = array<i64: 2, 2000, 128>}, {transform_indices = @transform_2, window_bounds = array<i64: 2, 2000, 16>}, {pipeline_mode = #tpu.pipeline_mode<synchronous>, transform_indices = @transform_3, window_bounds = array<i64: 128, 128>}, {pipeline_mode = #tpu.pipeline_mode<synchronous>, transform_indices = @transform_4, window_bounds = array<i64: 128, 128>}, {pipeline_mode = #tpu.pipeline_mode<synchronous>, transform_indices = @transform_5, window_bounds = array<i64: 1, 128>}, {transform_indices = @transform_6, window_bounds = array<i64: 2000, 128>}, {transform_indices = @transform_7, window_bounds = array<i64: 2000, 128>}]} {
    %get3A = arith.constant 0 : index
    %get3A_0 = arith.constant 0 : index
    %get3A_1 = arith.constant 0 : index
    %get3A_2 = vector.load %arg2[%get3A, %get3A_0, %get3A_1] : memref<2x2000x128xf32, #tpu.memory_space<vmem>>, vector<1x2000x128xf32>
    %get3A_3 = vector.shape_cast %get3A_2 : vector<1x2000x128xf32> to vector<2000x128xf32>
    %get3A_4 = arith.constant 1 : index
    %get3A_5 = arith.constant 0 : index
    %get3A_6 = arith.constant 0 : index
    %get3A_7 = vector.load %arg2[%get3A_4, %get3A_5, %get3A_6] : memref<2x2000x128xf32, #tpu.memory_space<vmem>>, vector<1x2000x128xf32>
    %get3A_8 = vector.shape_cast %get3A_7 : vector<1x2000x128xf32> to vector<2000x128xf32>
    %add3A = arith.addf %get3A_3, %get3A_8 : vector<2000x128xf32>
    %get3A_9 = arith.constant 0 : index
    %get3A_10 = arith.constant 0 : index
    %get3A_11 = arith.constant 0 : index
    %get3A_12 = vector.load %arg3[%get3A_9, %get3A_10, %get3A_11] : memref<2x2000x16xf32, #tpu.memory_space<vmem>>, vector<1x2000x1xf32>
    %get3A_13 = vector.shape_cast %get3A_12 : vector<1x2000x1xf32> to vector<2000x1xf32>
    %get3A_14 = arith.constant 1 : index
    %get3A_15 = arith.constant 0 : index
    %get3A_16 = arith.constant 0 : index
    %get3A_17 = vector.load %arg3[%get3A_14, %get3A_15, %get3A_16] : memref<2x2000x16xf32, #tpu.memory_space<vmem>>, vector<1x2000x1xf32>
    %get3A_18 = vector.shape_cast %get3A_17 : vector<1x2000x1xf32> to vector<2000x1xf32>
    %add3A_19 = arith.addf %get3A_13, %get3A_18 : vector<2000x1xf32>
    %max3A = arith.constant 1.000000e+00 : f32
    %max3A_20 = vector.broadcast %max3A : f32 to vector<2000x1xf32>
    %max3A_21 = arith.maximumf %add3A_19, %max3A_20 : vector<2000x1xf32>
    %div3A = arith.constant 1.000000e+00 : f32
    %div3A_22 = vector.broadcast %div3A : f32 to vector<2000x1xf32>
    %div3A_23 = arith.divf %div3A_22, %max3A_21 : vector<2000x1xf32>
    %get3A_24 = arith.constant 0 : index
    %get3A_25 = arith.constant 0 : index
    %get3A_26 = vector.load %arg1[%get3A_24, %get3A_25] : memref<2000x128xf32, #tpu.memory_space<vmem>>, vector<2000x128xf32>
    %mul3A = vector.broadcast %div3A_23 : vector<2000x1xf32> to vector<2000x128xf32>
    %mul3A_27 = arith.mulf %add3A, %mul3A : vector<2000x128xf32>
    %add3A_28 = arith.addf %get3A_26, %mul3A_27 : vector<2000x128xf32>
    %max3A_29 = arith.constant 0.000000e+00 : f32
    %max3A_30 = vector.broadcast %max3A_29 : f32 to vector<2000x128xf32>
    %max3A_31 = arith.maximumf %add3A_28, %max3A_30 : vector<2000x128xf32>
    %get3A_32 = arith.constant 0 : index
    %get3A_33 = arith.constant 0 : index
    %get3A_34 = vector.load %arg4[%get3A_32, %get3A_33] : memref<128x128xf32, #tpu.memory_space<vmem>>, vector<128x128xf32>
    %dot_general3A = arith.constant dense<0.000000e+00> : vector<2000x128xf32>
    %dot_general3A_35 = tpu.matmul %max3A_31, %get3A_34, %dot_general3A {dimension_numbers = #tpu.dot_dimension_numbers<[1], [0], [0], [1], [0, 0, 1, 1], [], []>, transpose_lhs_hint = false} : vector<2000x128xf32>, vector<128x128xf32>, vector<2000x128xf32> -> vector<2000x128xf32>
    %get3A_36 = arith.constant 0 : index
    %get3A_37 = arith.constant 0 : index
    %get3A_38 = vector.load %arg6[%get3A_36, %get3A_37] : memref<1x128xf32, #tpu.memory_space<vmem>>, vector<1x128xf32>
    %add3A_39 = vector.broadcast %get3A_38 : vector<1x128xf32> to vector<2000x128xf32>
    %add3A_40 = arith.addf %dot_general3A_35, %add3A_39 : vector<2000x128xf32>
    %swap3A = arith.constant 0 : index
    %swap3A_41 = arith.constant 0 : index
    %swap3A_42 = vector.load %arg7[%swap3A, %swap3A_41] : memref<2000x128xf32, #tpu.memory_space<vmem>>, vector<2000x128xf32>
    tpu.vector_store %arg7[%swap3A, %swap3A_41], %add3A_40 {strides = array<i32>} : memref<2000x128xf32, #tpu.memory_space<vmem>>, vector<2000x128xf32>,
    %get3A_43 = arith.constant 0 : index
    %get3A_44 = arith.constant 0 : index
    %get3A_45 = vector.load %arg5[%get3A_43, %get3A_44] : memref<128x128xf32, #tpu.memory_space<vmem>>, vector<128x128xf32>
    %dot_general3A_46 = arith.constant dense<0.000000e+00> : vector<2000x128xf32>
    %dot_general3A_47 = tpu.matmul %max3A_31, %get3A_45, %dot_general3A_46 {dimension_numbers = #tpu.dot_dimension_numbers<[1], [0], [0], [1], [0, 0, 1, 1], [], []>, transpose_lhs_hint = false} : vector<2000x128xf32>, vector<128x128xf32>, vector<2000x128xf32> -> vector<2000x128xf32>
    %swap3A_48 = arith.constant 0 : index
    %swap3A_49 = arith.constant 0 : index
    %swap3A_50 = vector.load %arg8[%swap3A_48, %swap3A_49] : memref<2000x128xf32, #tpu.memory_space<vmem>>, vector<2000x128xf32>
    tpu.vector_store %arg8[%swap3A_48, %swap3A_49], %dot_general3A_47 {strides = array<i32>} : memref<2000x128xf32, #tpu.memory_space<vmem>>, vector<2000x128xf32>,
    return
  }
  func.func @transform_0(%arg0: i32) -> (i32, i32) {
    %c0_i32 = arith.constant 0 : i32
    %c0_i32_0 = arith.constant 0 : i32
    return %arg0, %c0_i32 : i32, i32
  }
  func.func @transform_1(%arg0: i32) -> (i32, i32, i32) {
    %c0_i32 = arith.constant 0 : i32
    %c0_i32_0 = arith.constant 0 : i32
    %c0_i32_1 = arith.constant 0 : i32
    return %c0_i32, %arg0, %c0_i32_0 : i32, i32, i32
  }
  func.func @transform_2(%arg0: i32) -> (i32, i32, i32) {
    %c0_i32 = arith.constant 0 : i32
    %c0_i32_0 = arith.constant 0 : i32
    %c0_i32_1 = arith.constant 0 : i32
    return %c0_i32, %arg0, %c0_i32_0 : i32, i32, i32
  }
  func.func @transform_3(%arg0: i32) -> (i32, i32) {
    %c0_i32 = arith.constant 0 : i32
    %c0_i32_0 = arith.constant 0 : i32
    %c0_i32_1 = arith.constant 0 : i32
    return %c0_i32, %c0_i32_0 : i32, i32
  }
  func.func @transform_4(%arg0: i32) -> (i32, i32) {
    %c0_i32 = arith.constant 0 : i32
    %c0_i32_0 = arith.constant 0 : i32
    %c0_i32_1 = arith.constant 0 : i32
    return %c0_i32, %c0_i32_0 : i32, i32
  }
  func.func @transform_5(%arg0: i32) -> (i32, i32) {
    %c0_i32 = arith.constant 0 : i32
    %c0_i32_0 = arith.constant 0 : i32
    %c0_i32_1 = arith.constant 0 : i32
    return %c0_i32, %c0_i32_0 : i32, i32
  }
  func.func @transform_6(%arg0: i32) -> (i32, i32) {
    %c0_i32 = arith.constant 0 : i32
    %c0_i32_0 = arith.constant 0 : i32
    return %arg0, %c0_i32 : i32, i32
  }
  func.func @transform_7(%arg0: i32) -> (i32, i32) {
    %c0_i32 = arith.constant 0 : i32
    %c0_i32_0 = arith.constant 0 : i32
    return %arg0, %c0_i32 : i32, i32
  }
}

module attributes {stable_mosaic.version = 14 : i64} {
  func.func @_comb_body(%arg0: i32, %arg1: memref<2000x128xf32, #tpu.memory_space<vmem>>, %arg2: memref<2x2000x128xf32, #tpu.memory_space<vmem>>, %arg3: memref<2x2000x16xf32, #tpu.memory_space<vmem>>, %arg4: memref<128x48xf32, #tpu.memory_space<vmem>>, %arg5: memref<128x48xf32, #tpu.memory_space<vmem>>, %arg6: memref<1x48xf32, #tpu.memory_space<vmem>>, %arg7: memref<2000x48xf32, #tpu.memory_space<vmem>>, %arg8: memref<2000x48xf32, #tpu.memory_space<vmem>>) attributes {dimension_semantics = [#tpu.dimension_semantics<arbitrary>], iteration_bounds = array<i64: 5>, scalar_prefetch = 0 : i64, scratch_operands = 0 : i64, tpu.core_type = #tpu.core_type<tc>, window_params = [{transform_indices = @transform_0, window_bounds = array<i64: 2000, 128>}, {transform_indices = @transform_1, window_bounds = array<i64: 2, 2000, 128>}, {transform_indices = @transform_2, window_bounds = array<i64: 2, 2000, 16>}, {pipeline_mode = #tpu.pipeline_mode<synchronous>, transform_indices = @transform_3, window_bounds = array<i64: 128, 48>}, {pipeline_mode = #tpu.pipeline_mode<synchronous>, transform_indices = @transform_4, window_bounds = array<i64: 128, 48>}, {pipeline_mode = #tpu.pipeline_mode<synchronous>, transform_indices = @transform_5, window_bounds = array<i64: 1, 48>}, {transform_indices = @transform_6, window_bounds = array<i64: 2000, 48>}, {transform_indices = @transform_7, window_bounds = array<i64: 2000, 48>}]} {
    %get3A = arith.constant 0 : index
    %get3A_0 = arith.constant 0 : index
    %get3A_1 = arith.constant 0 : index
    %get3A_2 = vector.load %arg2[%get3A, %get3A_0, %get3A_1] : memref<2x2000x128xf32, #tpu.memory_space<vmem>>, vector<1x2000x128xf32>
    %get3A_3 = vector.shape_cast %get3A_2 : vector<1x2000x128xf32> to vector<2000x128xf32>
    %get3A_4 = arith.constant 1 : index
    %get3A_5 = arith.constant 0 : index
    %get3A_6 = arith.constant 0 : index
    %get3A_7 = vector.load %arg2[%get3A_4, %get3A_5, %get3A_6] : memref<2x2000x128xf32, #tpu.memory_space<vmem>>, vector<1x2000x128xf32>
    %get3A_8 = vector.shape_cast %get3A_7 : vector<1x2000x128xf32> to vector<2000x128xf32>
    %add3A = arith.addf %get3A_3, %get3A_8 : vector<2000x128xf32>
    %get3A_9 = arith.constant 0 : index
    %get3A_10 = arith.constant 0 : index
    %get3A_11 = arith.constant 0 : index
    %get3A_12 = vector.load %arg3[%get3A_9, %get3A_10, %get3A_11] : memref<2x2000x16xf32, #tpu.memory_space<vmem>>, vector<1x2000x1xf32>
    %get3A_13 = vector.shape_cast %get3A_12 : vector<1x2000x1xf32> to vector<2000x1xf32>
    %get3A_14 = arith.constant 1 : index
    %get3A_15 = arith.constant 0 : index
    %get3A_16 = arith.constant 0 : index
    %get3A_17 = vector.load %arg3[%get3A_14, %get3A_15, %get3A_16] : memref<2x2000x16xf32, #tpu.memory_space<vmem>>, vector<1x2000x1xf32>
    %get3A_18 = vector.shape_cast %get3A_17 : vector<1x2000x1xf32> to vector<2000x1xf32>
    %add3A_19 = arith.addf %get3A_13, %get3A_18 : vector<2000x1xf32>
    %max3A = arith.constant 1.000000e+00 : f32
    %max3A_20 = vector.broadcast %max3A : f32 to vector<2000x1xf32>
    %max3A_21 = arith.maximumf %add3A_19, %max3A_20 : vector<2000x1xf32>
    %div3A = arith.constant 1.000000e+00 : f32
    %div3A_22 = vector.broadcast %div3A : f32 to vector<2000x1xf32>
    %div3A_23 = arith.divf %div3A_22, %max3A_21 : vector<2000x1xf32>
    %get3A_24 = arith.constant 0 : index
    %get3A_25 = arith.constant 0 : index
    %get3A_26 = vector.load %arg1[%get3A_24, %get3A_25] : memref<2000x128xf32, #tpu.memory_space<vmem>>, vector<2000x128xf32>
    %mul3A = vector.broadcast %div3A_23 : vector<2000x1xf32> to vector<2000x128xf32>
    %mul3A_27 = arith.mulf %add3A, %mul3A : vector<2000x128xf32>
    %add3A_28 = arith.addf %get3A_26, %mul3A_27 : vector<2000x128xf32>
    %max3A_29 = arith.constant 0.000000e+00 : f32
    %max3A_30 = vector.broadcast %max3A_29 : f32 to vector<2000x128xf32>
    %max3A_31 = arith.maximumf %add3A_28, %max3A_30 : vector<2000x128xf32>
    %get3A_32 = arith.constant 0 : index
    %get3A_33 = arith.constant 0 : index
    %get3A_34 = vector.load %arg4[%get3A_32, %get3A_33] : memref<128x48xf32, #tpu.memory_space<vmem>>, vector<128x48xf32>
    %dot_general3A = arith.constant dense<0.000000e+00> : vector<2000x48xf32>
    %dot_general3A_35 = tpu.matmul %max3A_31, %get3A_34, %dot_general3A {dimension_numbers = #tpu.dot_dimension_numbers<[1], [0], [0], [1], [0, 0, 1, 1], [], []>, transpose_lhs_hint = false} : vector<2000x128xf32>, vector<128x48xf32>, vector<2000x48xf32> -> vector<2000x48xf32>
    %get3A_36 = arith.constant 0 : index
    %get3A_37 = arith.constant 0 : index
    %get3A_38 = vector.load %arg6[%get3A_36, %get3A_37] : memref<1x48xf32, #tpu.memory_space<vmem>>, vector<1x48xf32>
    %add3A_39 = vector.broadcast %get3A_38 : vector<1x48xf32> to vector<2000x48xf32>
    %add3A_40 = arith.addf %dot_general3A_35, %add3A_39 : vector<2000x48xf32>
    %swap3A = arith.constant 0 : index
    %swap3A_41 = arith.constant 0 : index
    %swap3A_42 = vector.load %arg7[%swap3A, %swap3A_41] : memref<2000x48xf32, #tpu.memory_space<vmem>>, vector<2000x48xf32>
    tpu.vector_store %arg7[%swap3A, %swap3A_41], %add3A_40 {strides = array<i32>} : memref<2000x48xf32, #tpu.memory_space<vmem>>, vector<2000x48xf32>,
    %get3A_43 = arith.constant 0 : index
    %get3A_44 = arith.constant 0 : index
    %get3A_45 = vector.load %arg5[%get3A_43, %get3A_44] : memref<128x48xf32, #tpu.memory_space<vmem>>, vector<128x48xf32>
    %dot_general3A_46 = arith.constant dense<0.000000e+00> : vector<2000x48xf32>
    %dot_general3A_47 = tpu.matmul %max3A_31, %get3A_45, %dot_general3A_46 {dimension_numbers = #tpu.dot_dimension_numbers<[1], [0], [0], [1], [0, 0, 1, 1], [], []>, transpose_lhs_hint = false} : vector<2000x128xf32>, vector<128x48xf32>, vector<2000x48xf32> -> vector<2000x48xf32>
    %swap3A_48 = arith.constant 0 : index
    %swap3A_49 = arith.constant 0 : index
    %swap3A_50 = vector.load %arg8[%swap3A_48, %swap3A_49] : memref<2000x48xf32, #tpu.memory_space<vmem>>, vector<2000x48xf32>
    tpu.vector_store %arg8[%swap3A_48, %swap3A_49], %dot_general3A_47 {strides = array<i32>} : memref<2000x48xf32, #tpu.memory_space<vmem>>, vector<2000x48xf32>,
    return
  }
  func.func @transform_0(%arg0: i32) -> (i32, i32) {
    %c0_i32 = arith.constant 0 : i32
    %c0_i32_0 = arith.constant 0 : i32
    return %arg0, %c0_i32 : i32, i32
  }
  func.func @transform_1(%arg0: i32) -> (i32, i32, i32) {
    %c0_i32 = arith.constant 0 : i32
    %c0_i32_0 = arith.constant 0 : i32
    %c0_i32_1 = arith.constant 0 : i32
    return %c0_i32, %arg0, %c0_i32_0 : i32, i32, i32
  }
  func.func @transform_2(%arg0: i32) -> (i32, i32, i32) {
    %c0_i32 = arith.constant 0 : i32
    %c0_i32_0 = arith.constant 0 : i32
    %c0_i32_1 = arith.constant 0 : i32
    return %c0_i32, %arg0, %c0_i32_0 : i32, i32, i32
  }
  func.func @transform_3(%arg0: i32) -> (i32, i32) {
    %c0_i32 = arith.constant 0 : i32
    %c0_i32_0 = arith.constant 0 : i32
    %c0_i32_1 = arith.constant 0 : i32
    return %c0_i32, %c0_i32_0 : i32, i32
  }
  func.func @transform_4(%arg0: i32) -> (i32, i32) {
    %c0_i32 = arith.constant 0 : i32
    %c0_i32_0 = arith.constant 0 : i32
    %c0_i32_1 = arith.constant 0 : i32
    return %c0_i32, %c0_i32_0 : i32, i32
  }
  func.func @transform_5(%arg0: i32) -> (i32, i32) {
    %c0_i32 = arith.constant 0 : i32
    %c0_i32_0 = arith.constant 0 : i32
    %c0_i32_1 = arith.constant 0 : i32
    return %c0_i32, %c0_i32_0 : i32, i32
  }
  func.func @transform_6(%arg0: i32) -> (i32, i32) {
    %c0_i32 = arith.constant 0 : i32
    %c0_i32_0 = arith.constant 0 : i32
    return %arg0, %c0_i32 : i32, i32
  }
  func.func @transform_7(%arg0: i32) -> (i32, i32) {
    %c0_i32 = arith.constant 0 : i32
    %c0_i32_0 = arith.constant 0 : i32
    return %arg0, %c0_i32 : i32, i32
  }
}

module attributes {stable_mosaic.version = 14 : i64} {
  func.func @_final_body(%arg0: i32, %arg1: memref<2000x48xf32, #tpu.memory_space<vmem>>, %arg2: memref<2x2000x48xf32, #tpu.memory_space<vmem>>, %arg3: memref<2x2000x16xf32, #tpu.memory_space<vmem>>, %arg4: memref<2000x40xf32, #tpu.memory_space<vmem>>) attributes {dimension_semantics = [#tpu.dimension_semantics<arbitrary>], iteration_bounds = array<i64: 5>, scalar_prefetch = 0 : i64, scratch_operands = 0 : i64, tpu.core_type = #tpu.core_type<tc>, window_params = [{transform_indices = @transform_0, window_bounds = array<i64: 2000, 48>}, {transform_indices = @transform_1, window_bounds = array<i64: 2, 2000, 48>}, {transform_indices = @transform_2, window_bounds = array<i64: 2, 2000, 16>}, {transform_indices = @transform_3, window_bounds = array<i64: 2000, 40>}]} {
    %get3A = arith.constant 0 : index
    %get3A_0 = arith.constant 0 : index
    %get3A_1 = arith.constant 0 : index
    %get3A_2 = vector.load %arg2[%get3A, %get3A_0, %get3A_1] : memref<2x2000x48xf32, #tpu.memory_space<vmem>>, vector<1x2000x48xf32>
    %get3A_3 = vector.shape_cast %get3A_2 : vector<1x2000x48xf32> to vector<2000x48xf32>
    %get3A_4 = arith.constant 1 : index
    %get3A_5 = arith.constant 0 : index
    %get3A_6 = arith.constant 0 : index
    %get3A_7 = vector.load %arg2[%get3A_4, %get3A_5, %get3A_6] : memref<2x2000x48xf32, #tpu.memory_space<vmem>>, vector<1x2000x48xf32>
    %get3A_8 = vector.shape_cast %get3A_7 : vector<1x2000x48xf32> to vector<2000x48xf32>
    %add3A = arith.addf %get3A_3, %get3A_8 : vector<2000x48xf32>
    %get3A_9 = arith.constant 0 : index
    %get3A_10 = arith.constant 0 : index
    %get3A_11 = arith.constant 0 : index
    %get3A_12 = vector.load %arg3[%get3A_9, %get3A_10, %get3A_11] : memref<2x2000x16xf32, #tpu.memory_space<vmem>>, vector<1x2000x1xf32>
    %get3A_13 = vector.shape_cast %get3A_12 : vector<1x2000x1xf32> to vector<2000x1xf32>
    %get3A_14 = arith.constant 1 : index
    %get3A_15 = arith.constant 0 : index
    %get3A_16 = arith.constant 0 : index
    %get3A_17 = vector.load %arg3[%get3A_14, %get3A_15, %get3A_16] : memref<2x2000x16xf32, #tpu.memory_space<vmem>>, vector<1x2000x1xf32>
    %get3A_18 = vector.shape_cast %get3A_17 : vector<1x2000x1xf32> to vector<2000x1xf32>
    %add3A_19 = arith.addf %get3A_13, %get3A_18 : vector<2000x1xf32>
    %max3A = arith.constant 1.000000e+00 : f32
    %max3A_20 = vector.broadcast %max3A : f32 to vector<2000x1xf32>
    %max3A_21 = arith.maximumf %add3A_19, %max3A_20 : vector<2000x1xf32>
    %div3A = arith.constant 1.000000e+00 : f32
    %div3A_22 = vector.broadcast %div3A : f32 to vector<2000x1xf32>
    %div3A_23 = arith.divf %div3A_22, %max3A_21 : vector<2000x1xf32>
    %get3A_24 = arith.constant 0 : index
    %get3A_25 = arith.constant 0 : index
    %get3A_26 = vector.load %arg1[%get3A_24, %get3A_25] : memref<2000x48xf32, #tpu.memory_space<vmem>>, vector<2000x48xf32>
    %mul3A = vector.broadcast %div3A_23 : vector<2000x1xf32> to vector<2000x48xf32>
    %mul3A_27 = arith.mulf %add3A, %mul3A : vector<2000x48xf32>
    %add3A_28 = arith.addf %get3A_26, %mul3A_27 : vector<2000x48xf32>
    %iota3A = tpu.iota {dimensions = array<i32: 1>} : vector<2000x48xi32>
    %lt3A = arith.constant 40 : i32
    %lt3A_29 = vector.broadcast %lt3A : i32 to vector<2000x48xi32>
    %lt3A_30 = arith.cmpi slt, %iota3A, %lt3A_29 : vector<2000x48xi32>
    %jit3A = arith.constant 0xFF800000 : f32
    %broadcast_in_dim3A = vector.broadcast %jit3A : f32 to vector<2000x48xf32>
    %select_n3A = arith.select %lt3A_30, %add3A_28, %broadcast_in_dim3A : vector<2000x48xi1>, vector<2000x48xf32>
    %reduce_max3A = arith.constant dense<0xFF800000> : vector<2000xf32>
    %reduce_max3A_31 = vector.multi_reduction <maximumf>, %select_n3A, %reduce_max3A [1] : vector<2000x48xf32> to vector<2000xf32>
    %broadcast_in_dim3A_32 = vector.shape_cast %reduce_max3A_31 : vector<2000xf32> to vector<2000x1xf32>
    %sub3A = vector.broadcast %broadcast_in_dim3A_32 : vector<2000x1xf32> to vector<2000x48xf32>
    %sub3A_33 = arith.subf %add3A_28, %sub3A : vector<2000x48xf32>
    %exp3A = math.exp %sub3A_33 : vector<2000x48xf32>
    %jit3A_34 = arith.constant 0.000000e+00 : f32
    %broadcast_in_dim3A_35 = vector.broadcast %jit3A_34 : f32 to vector<2000x48xf32>
    %select_n3A_36 = arith.select %lt3A_30, %exp3A, %broadcast_in_dim3A_35 : vector<2000x48xi1>, vector<2000x48xf32>
    %reduce_sum3A = arith.constant dense<0.000000e+00> : vector<2000xf32>
    %reduce_sum3A_37 = vector.multi_reduction <add>, %select_n3A_36, %reduce_sum3A [1] : vector<2000x48xf32> to vector<2000xf32>
    %broadcast_in_dim3A_38 = vector.shape_cast %reduce_sum3A_37 : vector<2000xf32> to vector<2000x1xf32>
    %log3A = math.log %broadcast_in_dim3A_38 : vector<2000x1xf32>
    %add3A_39 = arith.addf %log3A, %broadcast_in_dim3A_32 : vector<2000x1xf32>
    %sub3A_40 = vector.broadcast %add3A_39 : vector<2000x1xf32> to vector<2000x48xf32>
    %sub3A_41 = arith.subf %add3A_28, %sub3A_40 : vector<2000x48xf32>
    %slice3A = vector.extract_strided_slice %sub3A_41 {offsets = [0, 0], sizes = [2000, 40], strides = [1, 1]} : vector<2000x48xf32> to vector<2000x40xf32>
    %swap3A = arith.constant 0 : index
    %swap3A_42 = arith.constant 0 : index
    %swap3A_43 = vector.load %arg4[%swap3A, %swap3A_42] : memref<2000x40xf32, #tpu.memory_space<vmem>>, vector<2000x40xf32>
    tpu.vector_store %arg4[%swap3A, %swap3A_42], %slice3A {strides = array<i32>} : memref<2000x40xf32, #tpu.memory_space<vmem>>, vector<2000x40xf32>,
    return
  }
  func.func @transform_0(%arg0: i32) -> (i32, i32) {
    %c0_i32 = arith.constant 0 : i32
    %c0_i32_0 = arith.constant 0 : i32
    return %arg0, %c0_i32 : i32, i32
  }
  func.func @transform_1(%arg0: i32) -> (i32, i32, i32) {
    %c0_i32 = arith.constant 0 : i32
    %c0_i32_0 = arith.constant 0 : i32
    %c0_i32_1 = arith.constant 0 : i32
    return %c0_i32, %arg0, %c0_i32_0 : i32, i32, i32
  }
  func.func @transform_2(%arg0: i32) -> (i32, i32, i32) {
    %c0_i32 = arith.constant 0 : i32
    %c0_i32_0 = arith.constant 0 : i32
    %c0_i32_1 = arith.constant 0 : i32
    return %c0_i32, %arg0, %c0_i32_0 : i32, i32, i32
  }
  func.func @transform_3(%arg0: i32) -> (i32, i32) {
    %c0_i32 = arith.constant 0 : i32
    %c0_i32_0 = arith.constant 0 : i32
    return %arg0, %c0_i32 : i32, i32
  }
}

</mosaic_0001>

<sc_bundles>
// kernel: sage_agg128.4.cloned.1.call-start
scs
__scs_entry_jumppad:
0x0: {  	(pc) =	sbr.rel $0x88, $3  }
0x1: {  	(tag) =	ssettag $0x0;
	lr =	simm.s32 $0x1  }
0x2: {  	[smem:$0x3F96] =	sst lr;
	_ =	strace $0xD0000000  }
0x3: {  	_ = 	snop  }
0x4: {  	_ = 	snop  }
0x5: {  	_ = 	snop  }
0x6: {  	_ = 	snop  }
0x7: {  	_ = 	snop  }
__scs_overlays_trampoline_lowered:
0x8: {  	[smem:$0x3FA5] =	sst s0  }
0x9: {  	[smem:$0x3FA6] =	sst s1  }
0xa: {  	[smem:$0x3FA7] =	sst s2  }
0xb: {  	[smem:$0x3FA8] =	sst s3  }
0xc: {  	[smem:$0x3FA9] =	sst s4  }
0xd: {  	[smem:$0x3FAA] =	sst s5  }
0xe: {  	[smem:$0x3FAB] =	sst s6  }
0xf: {  	[smem:$0x3FAC] =	sst s7  }
0x10: {  	[smem:$0x3FAD] =	sst s8  }
0x11: {  	[smem:$0x3FAE] =	sst s9;
	s0 =	simm.s32 @!p0 $0x0  }
0x12: {  	s1 =	sld [smem:$0x3F94];
	s0 =	simm.s32 @p0 $0x1  }
0x13: {  	[smem:$0x3FAF] =	sst s0;
	s0 =	simm.s32 @!p1 $0x0  }
0x14: {  	s2 =	sld [smem:$0x3F93];
	s0 =	simm.s32 @p1 $0x1  }
0x15: {  	[smem:$0x3FB0] =	sst s0;
	s0 =	simm.s32 @!p2 $0x0  }
0x16: {  	s3 =	sld [smem:$0x3FDB];
	s0 =	simm.s32 @p2 $0x1  }
0x17: {  	s4 =	simm.s32 $0x1BF5;
	[smem:$0x3FB2] =	sst s0  }
0x18: {  	s0 =	sld [smem:$0x3F95];
	_ =	swait.ge [sflag:s4], $0x0  }
0x19: {  	s7 =	sld [smem:$0x3F96]  }
0x1a: {  	s8 =	sadd.s32 $0xFFFFE003, lr  }
0x1b: {  	s9 =	sadd.s32 $0xFFFFFEF7, lr;
	s5 =	simm.s32 $0xFFFFFFFF;
	p2 =	slt.u32 s8, $0xFFFFF086  }
0x1c: {  	p1 =	slt.u32 s9, $0xF7A;
	s5 =	simm.s32 @!p2 $0x0  }
0x1d: {  	s5 =	simm.s32 @p1 $0x1;
	p0 =	seq.s32 s7, s2  }
0x1e: {  	s7 =	smul.u32 @!p0 $0xF7A, s2;
	p2 =	seq.s32 @!p0 s5, $0x0  }
0x1f: {  	s9 =	smul.u32 $0xF7A, s1;
	s8 =	simm.s32 @!p0 $0x1BF5;
	p2 =	por !p2, p0  }
0x20: {  	[sflag:s8] =	ssyncset.s32 @!p0 $0xFFFFF086;
	s6 =	sadd.s32 @!p0 s3, s7;
	s7 =	simm.s32 @!p0 $0x108  }
0x21: {  	s3 =	sadd.s32 s3, s9;
	s6 =	sadd.s32 @!p0 $0x88, s6;
	s7 =	simm.s32 @p2 $0x1082  }
0x22: {  	[simem:s7], [sflag:s8] =	dma.local @!p0 [hbm:s6], $0xF7A  }
0x23: {  	s9 =	sor.u32 $0xD0000000, s2;
	s6 =	simm.s32 $0x108;
	_ =	swait.ge @!p0 [sflag:s8], $0x0  }
0x24: {  	s3 =	sadd.s32 $0x88, s3;
	s6 =	simm.s32 @!p1 $0x1082;
	[sflag:s4] =	ssyncset.s32 $0xFFFFF086  }
0x25: {  	[simem:s6], [sflag:s4] =	dma.local [hbm:s3], $0xF7A  }
0x26: {  	[smem:$0x3F96] =	sst s1;
	(tag) =	ssettag s2;
	_ =	strace s9  }
0x27: {  	s1 =	sld [smem:$0x3FA6]  }
0x28: {  	s2 =	sld [smem:$0x3FA7]  }
0x29: {  	s4 =	sld [smem:$0x3FA9]  }
0x2a: {  	p0 =	seq.s32 s5, $0x0;
	s5 =	sld [smem:$0x3FAA]  }
0x2b: {  	s6 =	sld [smem:$0x3FAB]  }
0x2c: {  	s7 =	sld [smem:$0x3FAC]  }
0x2d: {  	s3 =	simm.s32 $0x108;
	s8 =	sld [smem:$0x3FAD]  }
0x2e: {  	s3 =	simm.s32 @!p0 $0x1082;
	s9 =	sld [smem:$0x3FAE]  }
0x2f: {  	lr =	sadd.s32 s0, s3;
	s0 =	sld [smem:$0x3FA5]  }
0x30: {  	s3 =	sld [smem:$0x3FA8]  }
0x31: {  	[smem:$0x3FB1] =	sst s10  }
0x32: {  	s10 =	sld [smem:$0x3FAF];
	_ =	sdelay $0x3  }
0x33: {  	p0 =	seq.s32 s10, $0x1;
	s10 =	sld [smem:$0x3FB1];
	_ =	sdelay $0x3  }
0x34: {  	[smem:$0x3FB1] =	sst s10  }
0x35: {  	s10 =	sld [smem:$0x3FB0];
	_ =	sdelay $0x3  }
0x36: {  	p1 =	seq.s32 s10, $0x1;
	s10 =	sld [smem:$0x3FB1];
	_ =	sdelay $0x3  }
0x37: {  	[smem:$0x3FB1] =	sst s10  }
0x38: {  	s10 =	sld [smem:$0x3FB2]  }
0x39: {  	_ = 	snop;
	(pc) =	sbr.ind lr, $3  }
0x3a: {  	_ = 	snop  }
0x3b: {  	_ = 	snop  }
0x3c: {  	p2 =	seq.s32 s10, $0x1;
	s10 =	sld [smem:$0x3FB1]  }
0x3d: {  	_ =	shalt  }
0x3e: {  	_ =	shalt  }
0x3f: {  	_ =	shalt  }
0x40: {  	_ =	shalt  }
0x41: {  	_ =	shalt  }
0x42: {  	_ =	shalt  }
0x43: {  	_ =	shalt  }
0x44: {  	_ =	shalt  }
0x45: {  	_ =	shalt  }
0x46: {  	_ =	shalt  }
0x47: {  	_ =	shalt  }
0x48: {  	_ =	shalt  }
0x49: {  	_ =	shalt  }
0x4a: {  	_ =	shalt  }
0x4b: {  	_ =	shalt  }
0x4c: {  	_ =	shalt  }
0x4d: {  	_ =	shalt  }
0x4e: {  	_ =	shalt  }
0x4f: {  	_ =	shalt  }
0x50: {  	_ =	shalt  }
0x51: {  	_ =	shalt  }
0x52: {  	_ =	shalt  }
0x53: {  	_ =	shalt  }
0x54: {  	_ =	shalt  }
0x55: {  	_ =	shalt  }
0x56: {  	_ =	shalt  }
0x57: {  	_ =	shalt  }
0x58: {  	_ =	shalt  }
0x59: {  	_ =	shalt  }
0x5a: {  	_ =	shalt  }
0x5b: {  	_ =	shalt  }
0x5c: {  	_ =	shalt  }
0x5d: {  	_ =	shalt  }
0x5e: {  	_ =	shalt  }
0x5f: {  	_ =	shalt  }
0x60: {  	_ =	shalt  }
0x61: {  	_ =	shalt  }
0x62: {  	_ =	shalt  }
0x63: {  	_ =	shalt  }
0x64: {  	_ =	shalt  }
0x65: {  	_ =	shalt  }
0x66: {  	_ =	shalt  }
0x67: {  	_ =	shalt  }
0x68: {  	_ =	shalt  }
0x69: {  	_ =	shalt  }
0x6a: {  	_ =	shalt  }
0x6b: {  	_ =	shalt  }
0x6c: {  	_ =	shalt  }
0x6d: {  	_ =	shalt  }
0x6e: {  	_ =	shalt  }
0x6f: {  	_ =	shalt  }
0x70: {  	_ =	shalt  }
0x71: {  	_ =	shalt  }
0x72: {  	_ =	shalt  }
0x73: {  	_ =	shalt  }
0x74: {  	_ =	shalt  }
0x75: {  	_ =	shalt  }
0x76: {  	_ =	shalt  }
0x77: {  	_ =	shalt  }
0x78: {  	_ =	shalt  }
0x79: {  	_ =	shalt  }
0x7a: {  	_ =	shalt  }
0x7b: {  	_ =	shalt  }
0x7c: {  	_ =	shalt  }
0x7d: {  	_ =	shalt  }
0x7e: {  	_ =	shalt  }
0x7f: {  	_ =	shalt  }
0x80: {  	_ =	shalt  }
0x81: {  	_ =	shalt  }
0x82: {  	_ =	shalt  }
0x83: {  	_ =	shalt  }
0x84: {  	_ =	shalt  }
0x85: {  	_ =	shalt  }
0x86: {  	_ =	shalt  }
0x87: {  	_ =	shalt  }
.Lfunc_end0:
.L_simem_size_0:
called_computation.1_lowered:
.L_overlay_start_0:
0x88: {  	s2 =	sld [smem:$0x3FD9]  }
0x89: {  	s3 =	sld [smem:$0x3FFE];
	_ =	sdelay $0x1  }
0x8a: {  	s1 =	srdreg.scid  }
0x8b: {  	s0 =	sand.u32 $0x1, s1  }
0x8c: {  	s17 =	sshll.u32 s0, $0xA;
	s2 =	sadd.s32 s3, s2  }
0x8d: {  	s2 =	sadd.s32 s2, s17  }
0x8e: {  	[smem:$0x3FBD] =	sst s2  }
0x8f: {  	_ = 	snop  }
0x90: {  	s18 =	sld [smem:$0x3FD0];
	(tm) =	ssettm $0x1  }
0x91: {  	s19 =	sld [smem:$0x3FFB];
	_ =	sdelay $0x3  }
0x92: {  	_ =	strace s19  }
0x93: {  	s2 =	sld [smem:$0x3FFC];
	_ =	sdelay $0x3  }
0x94: {  	_ =	strace s2  }
0x95: {  	s2 =	sld [smem:$0x3FFD];
	_ =	sdelay $0x3  }
0x96: {  	_ =	strace s2  }
0x97: {  	_ =	strace $0x8FFFFFFF  }
0x98: {  	s20 =	sld [smem:$0x3FDB];
	_ =	sdelay $0x1  }
0x99: {  	s4 =	simm.s32 $_scs_section_size  }
0x9a: {  	s5 =	simm.s32 $_size__tile_overlayer_lowered;
	s6 =	simm.s32 $_tile_overlayer_lowered  }
0x9b: {  	s7 =	simm.s32 $0x1BFF;
	s21 =	sshll.u32 s6, $0x1;
	s4 =	sadd.s32 s4, s20  }
0x9c: {  	s22 =	simm.s32 $0x0;
	s5 =	sshll.u32 s5, $0x1;
	s6 =	sadd.s32 s21, s4  }
0x9d: {  	[timem:s22], [sflag:s7] =	dma.local [hbm:s6], s5  }
0x9e: {  	_ =	swait.ge [sflag:s7], s5  }
0x9f: {  	s5 =	ssub.s32 $0x0, s5;
	[sflag:s7] =	ssyncset.done $0x0  }
0xa0: {  	[sflag:s7] =	ssyncadd.s32 s5;
	_ =	sdelay $0x1  }
0xa1: {  	s23 =	simm.s32 $0x1B8B  }
0xa2: {  	_ =	swait.ge [sflag:s23], $0x1  }
0xa3: {  	[sflag:s23] =	ssyncset.done $0x0  }
0xa4: {  	[sflag:s23] =	ssyncadd.s32 $0xFFFFFFFF  }
0xa5: {  	s5 =	sld [smem:$0x0]  }
0xa6: {  	s6 =	sand.u32 $0xFFFFFFFE, s1  }
0xa7: {  	p0 =	sne.s32 s1, s6  }
0xa8: {  	s6 =	sshll.u32 @p0 s6, $0xE  }
0xa9: {  	s6 =	sadd.s32 @p0 $0x11B8D, s6;
	s7 =	sshll.u32 @p0 s5, $0x11  }
0xaa: {  	s6 =	sor.u32 @p0 s7, s6  }
0xab: {  	[sflag:s6] =	ssyncadd.remote.s32 @p0 $0x1;
	_ =	sdelay $0x1  }
0xac: {  	s6 =	simm.s32 @p0 $0x1B8D  }
0xad: {  	_ =	swait.eq @p0 [sflag:s6], $0x1  }
0xae: {  	[sflag:s6] =	ssyncadd.s32 @p0 $0xFFFFFFFF  }
0xaf: {  	s7 =	sshll.u32 @!p0 s1, $0xE  }
0xb0: {  	s7 =	sor.u32 @!p0 $0x4000, s7;
	s6 =	simm.s32 @!p0 $0x1B8D  }
0xb1: {  	s5 =	sshll.u32 @!p0 s5, $0x11;
	s7 =	sadd.s32 @!p0 $0x11B8D, s7;
	_ =	swait.eq @!p0 [sflag:s6], $0x1  }
0xb2: {  	s5 =	sor.u32 @!p0 s5, s7;
	[sflag:s6] =	ssyncadd.s32 @!p0 $0xFFFFFFFF  }
0xb3: {  	s25 =	simm.s32 $0x1B8E;
	s24 =	sld [smem:$0x3FFE];
	[sflag:s5] =	ssyncadd.remote.s32 @!p0 $0x1  }
0xb4: {  	s26 =	simm.s32 $execute0_lowered;
	[smem:$0x3FD2] =	sst s25  }
0xb5: {  	s6 =	sshll.u32 s26, $0x1;
	_ =	strace $0x80000049;
	[dreg:$0x1] =	wrdreg $0xFFFFFFFF  }
0xb6: {  	s28 =	simm.s32 $_size_execute0_lowered;
	s4 =	sadd.s32 s4, s6;
	[dreg:$0x0] =	wrdreg $0x0  }
0xb7: {  	s6 =	sshll.u32 s28, $0x1;
	[dreg:$0x2] =	wrdreg s4  }
0xb8: {  	[dreg:$0x3] =	wrdreg s6  }
0xb9: {  	[dreg:$0x4] =	wrdreg $0xC0  }
0xba: {  	_ =	task [dreg:s22], $0x5FFFF  }
0xbb: {  	[dreg:$0x1] =	wrdreg $0xFFFFFFFF  }
0xbc: {  	[dreg:$0x0] =	wrdreg $0x60  }
0xbd: {  	[dreg:$0x2] =	wrdreg s24  }
0xbe: {  	[dreg:$0x3] =	wrdreg s18  }
0xbf: {  	[dreg:$0x4] =	wrdreg $0xA9000  }
0xc0: {  	[dreg:$0x5] =	wrdreg $0xA  }
0xc1: {  	_ =	task.clear_ibuf [dreg:s22], $0x6FFFF;
	_ =	strace $0x90000049  }
0xc2: {  	s29 =	simm.s32 $0xA;
	_ =	strace $0x8000004B  }
0xc3: {  	_ =	swait.ge [sflag:s29], $0x1  }
0xc4: {  	[sflag:s29] =	ssyncadd.s32 $0xFFFFFFFF  }
0xc5: {  	_ =	strace $0x9000004B  }
0xc6: {  	_ =	sfence  }
0xc7: {  	s30 =	sld [smem:$0x0];
	_ =	sdelay $0x2  }
0xc8: {  	s31 =	sshll.u32 s1, $0xD;
	s1 =	sshrl.u32 s1, $0x2  }
0xc9: {  	s4 =	sand.u32 $0x4000, s31;
	s1 =	sadd.s32 s1, s30  }
0xca: {  	s0 =	sor.u32 s4, s0;
	s1 =	sshll.u32 s1, $0x11  }
0xcb: {  	s0 =	sor.u32 s1, s0  }
0xcc: {  	s0 =	sadd.s32 $0x8F2B, s0  }
0xcd: {  	[sflag:s0] =	ssyncadd.remote.s32 $0x1  }
0xce: {  	_ =	sfence.sel $0xFFFF  }
0xcf: {  	[dreg:$0x0] =	wrdreg $0xFFFFFFFF;
	(pc) =	sbr.abs _section_cstart, $3  }
0xd0: {  	[dreg:$0x1] =	wrdreg $0xFFFFFFFF  }
0xd1: {  	_ =	task.clear_ibuf [dreg:s22], $0x2FFFF;
	_ =	strace $0x9FFFFFFF  }
0xd2: {  	(tm) =	ssettm $0x7FFFFFFF  }
0xd3: {  	_ =	shalt  }
tec
execute0_lowered:
.L_overlay_start_1:
0x0: {  	(tag) =	ssettag $0x1  }
0x1: {  	s5 =	rddreg [dreg:$0x0]  }
0x2: {  	s1 =	srdreg.scid;
	s11 =	rddreg [dreg:$0x1]  }
0x3: {  	s0 =	stileid.u32;
	s2 =	rddreg [dreg:$0x2]  }
0x4: {  	s3 =	simm.s32 $0x0;
	s17 =	simm.s32 $0x3;
	s18 =	simm.s32 $0x2880  }
0x5: {  	s19 =	simm.s32 $0x2900;
	s20 =	simm.s32 $0x4;
	s21 =	simm.s32 $0x80  }
0x6: {  	s22 =	simm.s32 $0x6900;
	s23 =	simm.s32 $0x1;
	s24 =	simm.s32 $0x2  }
0x7: {  	s6 =	sand.u32 $0x1, s1;
	s25 =	sshll.u32 s0, $0x1;
	s7 =	smul.u32 $0x14000, s0  }
0x8: {  	[smem:$0x7FF] =	sst s3;
	s4 =	sadd.s32 $0x1C800, s5;
	s14 =	smul.u32 $0xA0, s0  }
0x9: {  	s29 =	sshll.u32 s0, $0x6;
	s1 =	sor.u32 s6, s25;
	s9 =	smul.u32 $0x140000, s6  }
0xa: {  	s13 =	ssub.s32 $0x2, s6;
	s28 =	smul.u32 $0x50, s6;
	s6 =	sor.u32 $0x1C05, s29  }
0xb: {  	s25 =	simm.s32 $0x0;
	s8 =	smul.u32 $0x500, s1;
	s1 =	rddreg [dreg:$0x3]  }
0xc: {  	_ =	strace $0x8000004A;
	s10 =	sshrl.u32 s7, $0x3;
	s26 =	sshrl.u32 s13, $0x1  }
0xd: {  	s16 =	sadd.s32 s7, s2;
	s10 =	sadd.s32 s10, s5;
	s9 =	sadd.s32 s7, s9  }
0xe: {  	s13 =	ssub.s32 s13, s26;
	s12 =	sadd.s32 s8, s5;
	s9 =	sshrl.u32 s9, $0x3  }
0xf: {  	s8 =	sadd.s32 s11, s8;
	s15 =	sadd.s32 s9, s5;
	s5 =	sadd.s32 $0x43A00, s10  }
0x10: {  	s9 =	sadd.s32 s28, s14;
	s7 =	sadd.s32 $0x2E00, s12;
	s14 =	sshrl.u32 s16, $0x3  }
0x11: {  	s16 =	simm.s32 $0x2800;
	s30 =	sshll.u32 s9, $0x4;
	s9 =	sadd.s32 $0x10, s8  }
0x12: {  	s10 =	sadd.s32 $0x6BA00, s15;
	s15 =	simm.s32 $0x5;
	s31 =	sadd.s32 s30, s11  }
0x13: {  	s11 =	smax.u32 s13, $0x1;
	s12 =	sadd.s32 $0x30, s31;
	s13 =	sadd.s32 $0x20, s31  }
.LBB2_1:
0x14: {  	[spmem:s14], [sflag:s6] =	dma.local [hbm:s5], $0x2800  }
0x15: {  	_ =	swait.ge [sflag:s15], $0x2800  }
0x16: {  	[sflag:s15] =	ssyncset.done $0x0  }
0x17: {  	[sflag:s15] =	ssyncadd.s32 $0xFFFFD800  }
0x18: {  	[tilespmem:s3], [sflag:$0x5] =	stream.linear.gather [hbm4b:s7+s3], $0x2800, $0x38;
	[tilespmem:$0x1E900] =	vst v63  }
0x19: {  	_ =	swait.ge [sflag:s15], $0x2800  }
0x1a: {  	[sflag:s15] =	ssyncset.done $0x0  }
0x1b: {  	[sflag:s15] =	ssyncadd.s32 $0xFFFFD800  }
0x1c: {  	[bflag:$0x0] =	sbarrier.arrive $0xFFFF  }
0x1d: {  	[tilespmem:s16], [sflag:$0x3] =	stream.linear.gather [hbm4b:s8+s3], $0x80, $0x38;
	[tilespmem:$0x1E900] =	vst v63  }
0x1e: {  	_ =	swait.ge [sflag:s17], $0x80  }
0x1f: {  	[sflag:s17] =	ssyncset.done $0x0  }
0x20: {  	[sflag:s17] =	ssyncadd.s32 $0xFFFFFF80  }
0x21: {  	[tilespmem:s18], [sflag:$0x4] =	stream.linear.gather [hbm4b:s9+s3], $0x80, $0x38;
	[tilespmem:$0x1E900] =	vst v63  }
0x22: {  	_ = 	snop  }
0x23: {  	[tilespmem:s19], [sflag:$0x1] =	stream.indirect.gather [hbm4b:s4+s21], $0x80, s16, s21, $0xb8;
	[tilespmem:$0x1E900] =	vst v63  }
0x24: {  	_ =	swait.ge [sflag:s20], $0x80  }
0x25: {  	[sflag:s20] =	ssyncset.done $0x0  }
0x26: {  	[sflag:s20] =	ssyncadd.s32 $0xFFFFFF80  }
0x27: {  	[tilespmem:s22], [sflag:$0x2] =	stream.indirect.gather [hbm4b:s4+s21], $0x80, s18, s21, $0xb8;
	[tilespmem:$0x1E900] =	vst v63  }
0x28: {  	_ =	swait.ge [sflag:s23], $0x4000  }
0x29: {  	[sflag:s23] =	ssyncset.done $0x0  }
0x2a: {  	s26 =	sadd.s32 $0x0, s13;
	[sflag:s23] =	ssyncadd.s32 $0xFFFFC000  }
0x2b: {  	[tilespmem:s16], [sflag:$0x3] =	stream.linear.gather [hbm4b:s26+s3], $0x80, $0x38;
	[tilespmem:$0x1E900] =	vst v63  }
0x2c: {  	s30 =	simm.s32 $0x0  }
0x2d: {  	[spmem:s2] =	stream.indirect.scatter.add.f32 [tilespmem:s19], [sflag:$0x5], $0x80, s30, s21, $0xb8;
	[tilespmem:$0x1E900] =	vst v63  }
0x2e: {  	_ =	swait.ge [sflag:s15], $0x4000  }
0x2f: {  	[sflag:s15] =	ssyncset.done $0x0  }
0x30: {  	[sflag:s15] =	ssyncadd.s32 $0xFFFFC000  }
0x31: {  	_ =	swait.ge [sflag:s17], $0x80  }
0x32: {  	[sflag:s17] =	ssyncset.done $0x0  }
0x33: {  	[sflag:s17] =	ssyncadd.s32 $0xFFFFFF80  }
0x34: {  	[tilespmem:s19], [sflag:$0x1] =	stream.indirect.gather [hbm4b:s4+s21], $0x80, s16, s21, $0xb8;
	[tilespmem:$0x1E900] =	vst v63  }
0x35: {  	_ =	swait.ge [sflag:s24], $0x4000  }
0x36: {  	[sflag:s24] =	ssyncset.done $0x0  }
0x37: {  	s31 =	sadd.s32 $0x0, s12;
	[sflag:s24] =	ssyncadd.s32 $0xFFFFC000  }
0x38: {  	[tilespmem:s18], [sflag:$0x4] =	stream.linear.gather [hbm4b:s31+s3], $0x80, $0x38;
	[tilespmem:$0x1E900] =	vst v63  }
0x39: {  	_ = 	snop  }
0x3a: {  	[spmem:s2] =	stream.indirect.scatter.add.f32 [tilespmem:s22], [sflag:$0x5], $0x80, s21, s21, $0xb8;
	[tilespmem:$0x1E900] =	vst v63  }
0x3b: {  	_ =	swait.ge [sflag:s15], $0x4000  }
0x3c: {  	s28 =	simm.s32 $0x80;
	s26 =	simm.s32 $0x20;
	[sflag:s15] =	ssyncset.done $0x0  }
.LBB2_2:
0x3d: {  	p0 =	sne.s32 s26, $0x4E0;
	[sflag:s15] =	ssyncadd.s32 $0xFFFFC000;
	s28 =	sadd.s32 $0x100, s28  }
0x3e: {  	s29 =	smov.u32 s26;
	s26 =	sadd.s32 $0x20, s26  }
0x3f: {  	_ =	swait.ge [sflag:s20], $0x80  }
0x40: {  	[sflag:s20] =	ssyncset.done $0x0  }
0x41: {  	[sflag:s20] =	ssyncadd.s32 $0xFFFFFF80  }
0x42: {  	[tilespmem:s22], [sflag:$0x2] =	stream.indirect.gather [hbm4b:s4+s21], $0x80, s18, s21, $0xb8;
	[tilespmem:$0x1E900] =	vst v63  }
0x43: {  	_ =	swait.ge [sflag:s23], $0x4000  }
0x44: {  	[sflag:s23] =	ssyncset.done $0x0  }
0x45: {  	s30 =	sadd.s32 s29, s13;
	[sflag:s23] =	ssyncadd.s32 $0xFFFFC000  }
0x46: {  	[tilespmem:s16], [sflag:$0x3] =	stream.linear.gather [hbm4b:s30+s3], $0x80, $0x38;
	[tilespmem:$0x1E900] =	vst v63  }
0x47: {  	s30 =	sadd.s32 $0xFFFFFF80, s28  }
0x48: {  	[spmem:s2] =	stream.indirect.scatter.add.f32 [tilespmem:s19], [sflag:$0x5], $0x80, s30, s21, $0xb8;
	[tilespmem:$0x1E900] =	vst v63  }
0x49: {  	_ =	swait.ge [sflag:s15], $0x4000  }
0x4a: {  	[sflag:s15] =	ssyncset.done $0x0  }
0x4b: {  	[sflag:s15] =	ssyncadd.s32 $0xFFFFC000  }
0x4c: {  	_ =	swait.ge [sflag:s17], $0x80  }
0x4d: {  	[sflag:s17] =	ssyncset.done $0x0  }
0x4e: {  	[sflag:s17] =	ssyncadd.s32 $0xFFFFFF80  }
0x4f: {  	[tilespmem:s19], [sflag:$0x1] =	stream.indirect.gather [hbm4b:s4+s21], $0x80, s16, s21, $0xb8;
	[tilespmem:$0x1E900] =	vst v63  }
0x50: {  	_ =	swait.ge [sflag:s24], $0x4000  }
0x51: {  	[sflag:s24] =	ssyncset.done $0x0  }
0x52: {  	s29 =	sadd.s32 s29, s12;
	[sflag:s24] =	ssyncadd.s32 $0xFFFFC000  }
0x53: {  	[tilespmem:s18], [sflag:$0x4] =	stream.linear.gather [hbm4b:s29+s3], $0x80, $0x38;
	[tilespmem:$0x1E900] =	vst v63  }
.Ltmp0:
0x54: {  	_ = 	snop;
	(pc) =	sbr.rel @p0 .LBB2_2-.Ltmp0, $4  }
0x55: {  	_ = 	snop  }
0x56: {  	[spmem:s2] =	stream.indirect.scatter.add.f32 [tilespmem:s22], [sflag:$0x5], $0x80, s28, s21, $0xb8;
	[tilespmem:$0x1E900] =	vst v63  }
0x57: {  	_ =	swait.ge [sflag:s15], $0x4000  }
0x58: {  	[sflag:s15] =	ssyncset.done $0x0  }
0x59: {  	[sflag:s15] =	ssyncadd.s32 $0xFFFFC000  }
0x5a: {  	_ =	swait.ge [sflag:s23], $0x4000  }
0x5b: {  	[sflag:s23] =	ssyncset.done $0x0  }
0x5c: {  	[sflag:s23] =	ssyncadd.s32 $0xFFFFC000  }
0x5d: {  	_ =	swait.ge [sflag:s20], $0x80  }
0x5e: {  	s25 =	sadd.s32 $0x1, s25;
	[sflag:s20] =	ssyncset.done $0x0  }
0x5f: {  	p0 =	sne.s32 s25, s11;
	[sflag:s20] =	ssyncadd.s32 $0xFFFFFF80  }
.Ltmp1:
0x60: {  	[bflag:$0x0] =	sbarrier.arrive $0xFFFF;
	(pc) =	sbr.rel @p0 .LBB2_1-.Ltmp1, $4  }
0x61: {  	[hbm:s10], [sflag:s6] =	dma.local [spmem:s14], $0x2800  }
0x62: {  	_ =	swait.ge [sflag:s15], $0x2800  }
0x63: {  	[sflag:s15] =	ssyncset.done $0x0  }
0x64: {  	[sflag:s15] =	ssyncadd.s32 $0xFFFFD800  }
0x65: {  	_ =	sfence.sel $0x180000  }
0x66: {  	[bflag:$0x0] =	sbarrier.arrive $0xFFFF  }
0x67: {  	p0 =	sne.s32 s0, $0x0;
	_ =	strace $0x9000004A  }
0x68: {  	s0 =	sadd.s32 @!p0 $0x100000, s1;
	[bflag:$0x2] =	sbarrier.arrive $0xFFFF  }
0x69: {  	[sflag:s0] =	ssyncadd.tile.s32 @!p0 $0x1;
	_ =	shalt  }
.Lfunc_end2:
_tile_overlayer_lowered:
.L_overlay_start_2:
0x6a: {  	(tag) =	ssettag $0x2  }
0x6b: {  	s0 =	rddreg [dreg:$0x0];
	s2 =	stileid.u32  }
0x6c: {  	s1 =	rddreg [dreg:$0x1];
	p0 =	sne.s32 s2, $0x0  }
0x6d: {  	s3 =	rddreg [dreg:$0x2];
	[bflag:$0x3] =	sbarrier.arrive $0xFFFF;
	s2 =	simm.s32 @!p0 $0x1C05  }
0x6e: {  	[timem:s3], [sflag:s2] =	dma.local @!p0 [hbm:s0], s1  }
0x6f: {  	s0 =	simm.s32 @!p0 $0x5  }
0x70: {  	_ =	swait.ge @!p0 [sflag:s0], s1  }
0x71: {  	s1 =	ssub.s32 @!p0 $0x0, s1;
	[sflag:s0] =	ssyncset.done @!p0 $0x0  }
0x72: {  	[sflag:s0] =	ssyncadd.s32 @!p0 s1  }
0x73: {  	[bflag:$0x3] =	sbarrier.arrive $0xFFFF  }
0x74: {  	_ =	shalt  }

// kernel: sage_agg128.7.cloned.1.call-start
scs
__scs_entry_jumppad:
0x0: {  	(pc) =	sbr.rel $0x88, $3  }
0x1: {  	(tag) =	ssettag $0x0;
	lr =	simm.s32 $0x1  }
0x2: {  	[smem:$0x3F96] =	sst lr;
	_ =	strace $0xD0000000  }
0x3: {  	_ = 	snop  }
0x4: {  	_ = 	snop  }
0x5: {  	_ = 	snop  }
0x6: {  	_ = 	snop  }
0x7: {  	_ = 	snop  }
__scs_overlays_trampoline_lowered:
0x8: {  	[smem:$0x3FA5] =	sst s0  }
0x9: {  	[smem:$0x3FA6] =	sst s1  }
0xa: {  	[smem:$0x3FA7] =	sst s2  }
0xb: {  	[smem:$0x3FA8] =	sst s3  }
0xc: {  	[smem:$0x3FA9] =	sst s4  }
0xd: {  	[smem:$0x3FAA] =	sst s5  }
0xe: {  	[smem:$0x3FAB] =	sst s6  }
0xf: {  	[smem:$0x3FAC] =	sst s7  }
0x10: {  	[smem:$0x3FAD] =	sst s8  }
0x11: {  	[smem:$0x3FAE] =	sst s9;
	s0 =	simm.s32 @!p0 $0x0  }
0x12: {  	s1 =	sld [smem:$0x3F94];
	s0 =	simm.s32 @p0 $0x1  }
0x13: {  	[smem:$0x3FAF] =	sst s0;
	s0 =	simm.s32 @!p1 $0x0  }
0x14: {  	s2 =	sld [smem:$0x3F93];
	s0 =	simm.s32 @p1 $0x1  }
0x15: {  	[smem:$0x3FB0] =	sst s0;
	s0 =	simm.s32 @!p2 $0x0  }
0x16: {  	s3 =	sld [smem:$0x3FDB];
	s0 =	simm.s32 @p2 $0x1  }
0x17: {  	s4 =	simm.s32 $0x1BF5;
	[smem:$0x3FB2] =	sst s0  }
0x18: {  	s0 =	sld [smem:$0x3F95];
	_ =	swait.ge [sflag:s4], $0x0  }
0x19: {  	s7 =	sld [smem:$0x3F96]  }
0x1a: {  	s8 =	sadd.s32 $0xFFFFE003, lr  }
0x1b: {  	s9 =	sadd.s32 $0xFFFFFEF7, lr;
	s5 =	simm.s32 $0xFFFFFFFF;
	p2 =	slt.u32 s8, $0xFFFFF086  }
0x1c: {  	p1 =	slt.u32 s9, $0xF7A;
	s5 =	simm.s32 @!p2 $0x0  }
0x1d: {  	s5 =	simm.s32 @p1 $0x1;
	p0 =	seq.s32 s7, s2  }
0x1e: {  	s7 =	smul.u32 @!p0 $0xF7A, s2;
	p2 =	seq.s32 @!p0 s5, $0x0  }
0x1f: {  	s9 =	smul.u32 $0xF7A, s1;
	s8 =	simm.s32 @!p0 $0x1BF5;
	p2 =	por !p2, p0  }
0x20: {  	[sflag:s8] =	ssyncset.s32 @!p0 $0xFFFFF086;
	s6 =	sadd.s32 @!p0 s3, s7;
	s7 =	simm.s32 @!p0 $0x108  }
0x21: {  	s3 =	sadd.s32 s3, s9;
	s6 =	sadd.s32 @!p0 $0x88, s6;
	s7 =	simm.s32 @p2 $0x1082  }
0x22: {  	[simem:s7], [sflag:s8] =	dma.local @!p0 [hbm:s6], $0xF7A  }
0x23: {  	s9 =	sor.u32 $0xD0000000, s2;
	s6 =	simm.s32 $0x108;
	_ =	swait.ge @!p0 [sflag:s8], $0x0  }
0x24: {  	s3 =	sadd.s32 $0x88, s3;
	s6 =	simm.s32 @!p1 $0x1082;
	[sflag:s4] =	ssyncset.s32 $0xFFFFF086  }
0x25: {  	[simem:s6], [sflag:s4] =	dma.local [hbm:s3], $0xF7A  }
0x26: {  	[smem:$0x3F96] =	sst s1;
	(tag) =	ssettag s2;
	_ =	strace s9  }
0x27: {  	s1 =	sld [smem:$0x3FA6]  }
0x28: {  	s2 =	sld [smem:$0x3FA7]  }
0x29: {  	s4 =	sld [smem:$0x3FA9]  }
0x2a: {  	p0 =	seq.s32 s5, $0x0;
	s5 =	sld [smem:$0x3FAA]  }
0x2b: {  	s6 =	sld [smem:$0x3FAB]  }
0x2c: {  	s7 =	sld [smem:$0x3FAC]  }
0x2d: {  	s3 =	simm.s32 $0x108;
	s8 =	sld [smem:$0x3FAD]  }
0x2e: {  	s3 =	simm.s32 @!p0 $0x1082;
	s9 =	sld [smem:$0x3FAE]  }
0x2f: {  	lr =	sadd.s32 s0, s3;
	s0 =	sld [smem:$0x3FA5]  }
0x30: {  	s3 =	sld [smem:$0x3FA8]  }
0x31: {  	[smem:$0x3FB1] =	sst s10  }
0x32: {  	s10 =	sld [smem:$0x3FAF];
	_ =	sdelay $0x3  }
0x33: {  	p0 =	seq.s32 s10, $0x1;
	s10 =	sld [smem:$0x3FB1];
	_ =	sdelay $0x3  }
0x34: {  	[smem:$0x3FB1] =	sst s10  }
0x35: {  	s10 =	sld [smem:$0x3FB0];
	_ =	sdelay $0x3  }
0x36: {  	p1 =	seq.s32 s10, $0x1;
	s10 =	sld [smem:$0x3FB1];
	_ =	sdelay $0x3  }
0x37: {  	[smem:$0x3FB1] =	sst s10  }
0x38: {  	s10 =	sld [smem:$0x3FB2]  }
0x39: {  	_ = 	snop;
	(pc) =	sbr.ind lr, $3  }
0x3a: {  	_ = 	snop  }
0x3b: {  	_ = 	snop  }
0x3c: {  	p2 =	seq.s32 s10, $0x1;
	s10 =	sld [smem:$0x3FB1]  }
0x3d: {  	_ =	shalt  }
0x3e: {  	_ =	shalt  }
0x3f: {  	_ =	shalt  }
0x40: {  	_ =	shalt  }
0x41: {  	_ =	shalt  }
0x42: {  	_ =	shalt  }
0x43: {  	_ =	shalt  }
0x44: {  	_ =	shalt  }
0x45: {  	_ =	shalt  }
0x46: {  	_ =	shalt  }
0x47: {  	_ =	shalt  }
0x48: {  	_ =	shalt  }
0x49: {  	_ =	shalt  }
0x4a: {  	_ =	shalt  }
0x4b: {  	_ =	shalt  }
0x4c: {  	_ =	shalt  }
0x4d: {  	_ =	shalt  }
0x4e: {  	_ =	shalt  }
0x4f: {  	_ =	shalt  }
0x50: {  	_ =	shalt  }
0x51: {  	_ =	shalt  }
0x52: {  	_ =	shalt  }
0x53: {  	_ =	shalt  }
0x54: {  	_ =	shalt  }
0x55: {  	_ =	shalt  }
0x56: {  	_ =	shalt  }
0x57: {  	_ =	shalt  }
0x58: {  	_ =	shalt  }
0x59: {  	_ =	shalt  }
0x5a: {  	_ =	shalt  }
0x5b: {  	_ =	shalt  }
0x5c: {  	_ =	shalt  }
0x5d: {  	_ =	shalt  }
0x5e: {  	_ =	shalt  }
0x5f: {  	_ =	shalt  }
0x60: {  	_ =	shalt  }
0x61: {  	_ =	shalt  }
0x62: {  	_ =	shalt  }
0x63: {  	_ =	shalt  }
0x64: {  	_ =	shalt  }
0x65: {  	_ =	shalt  }
0x66: {  	_ =	shalt  }
0x67: {  	_ =	shalt  }
0x68: {  	_ =	shalt  }
0x69: {  	_ =	shalt  }
0x6a: {  	_ =	shalt  }
0x6b: {  	_ =	shalt  }
0x6c: {  	_ =	shalt  }
0x6d: {  	_ =	shalt  }
0x6e: {  	_ =	shalt  }
0x6f: {  	_ =	shalt  }
0x70: {  	_ =	shalt  }
0x71: {  	_ =	shalt  }
0x72: {  	_ =	shalt  }
0x73: {  	_ =	shalt  }
0x74: {  	_ =	shalt  }
0x75: {  	_ =	shalt  }
0x76: {  	_ =	shalt  }
0x77: {  	_ =	shalt  }
0x78: {  	_ =	shalt  }
0x79: {  	_ =	shalt  }
0x7a: {  	_ =	shalt  }
0x7b: {  	_ =	shalt  }
0x7c: {  	_ =	shalt  }
0x7d: {  	_ =	shalt  }
0x7e: {  	_ =	shalt  }
0x7f: {  	_ =	shalt  }
0x80: {  	_ =	shalt  }
0x81: {  	_ =	shalt  }
0x82: {  	_ =	shalt  }
0x83: {  	_ =	shalt  }
0x84: {  	_ =	shalt  }
0x85: {  	_ =	shalt  }
0x86: {  	_ =	shalt  }
0x87: {  	_ =	shalt  }
.Lfunc_end0:
.L_simem_size_0:
called_computation.2_lowered:
.L_overlay_start_0:
0x88: {  	s2 =	sld [smem:$0x3FD9]  }
0x89: {  	s3 =	sld [smem:$0x3FFE];
	_ =	sdelay $0x1  }
0x8a: {  	s1 =	srdreg.scid  }
0x8b: {  	s0 =	sand.u32 $0x1, s1  }
0x8c: {  	s17 =	sshll.u32 s0, $0xA;
	s2 =	sadd.s32 s3, s2  }
0x8d: {  	s2 =	sadd.s32 s2, s17  }
0x8e: {  	[smem:$0x3FBD] =	sst s2  }
0x8f: {  	_ = 	snop  }
0x90: {  	s2 =	sld [smem:$0x3FD0];
	(tm) =	ssettm $0x1  }
0x91: {  	s18 =	sld [smem:$0x3FFB];
	_ =	sdelay $0x3  }
0x92: {  	_ =	strace s18  }
0x93: {  	s3 =	sld [smem:$0x3FFC];
	_ =	sdelay $0x3  }
0x94: {  	_ =	strace s3  }
0x95: {  	s3 =	sld [smem:$0x3FFD];
	_ =	sdelay $0x3  }
0x96: {  	_ =	strace s3  }
0x97: {  	_ =	strace $0x8FFFFFFF  }
0x98: {  	s19 =	sld [smem:$0x3FDB];
	_ =	sdelay $0x1  }
0x99: {  	s4 =	simm.s32 $_scs_section_size  }
0x9a: {  	s5 =	simm.s32 $_size__tile_overlayer_lowered;
	s6 =	simm.s32 $_tile_overlayer_lowered  }
0x9b: {  	s22 =	simm.s32 $0x1BFF;
	s21 =	sshll.u32 s6, $0x1;
	s3 =	sadd.s32 s4, s19  }
0x9c: {  	s7 =	simm.s32 $0x0;
	s20 =	sshll.u32 s5, $0x1;
	s5 =	sadd.s32 s21, s3  }
0x9d: {  	[timem:s7], [sflag:s22] =	dma.local [hbm:s5], s20  }
0x9e: {  	_ =	swait.ge [sflag:s22], s20  }
0x9f: {  	s4 =	ssub.s32 $0x0, s20;
	[sflag:s22] =	ssyncset.done $0x0  }
0xa0: {  	[sflag:s22] =	ssyncadd.s32 s4;
	_ =	sdelay $0x1  }
0xa1: {  	s23 =	simm.s32 $0x1B8B  }
0xa2: {  	_ =	swait.ge [sflag:s23], $0x1  }
0xa3: {  	[sflag:s23] =	ssyncset.done $0x0  }
0xa4: {  	s25 =	simm.s32 $0x1B8E;
	s24 =	sld [smem:$0x3FFE];
	[sflag:s23] =	ssyncadd.s32 $0xFFFFFFFF  }
0xa5: {  	s26 =	simm.s32 $execute0_lowered;
	[smem:$0x3FD2] =	sst s25  }
0xa6: {  	s5 =	sshll.u32 s26, $0x1;
	_ =	strace $0x8000004C;
	[dreg:$0x1] =	wrdreg $0xFFFFFFFF  }
0xa7: {  	s28 =	simm.s32 $_size_execute0_lowered;
	s3 =	sadd.s32 s3, s5;
	[dreg:$0x0] =	wrdreg $0x0  }
0xa8: {  	s5 =	sshll.u32 s28, $0x1;
	[dreg:$0x2] =	wrdreg s3  }
0xa9: {  	[dreg:$0x3] =	wrdreg s5  }
0xaa: {  	[dreg:$0x4] =	wrdreg $0xC0  }
0xab: {  	_ =	task [dreg:s7], $0x5FFFF  }
0xac: {  	[dreg:$0x1] =	wrdreg $0xFFFFFFFF  }
0xad: {  	[dreg:$0x0] =	wrdreg $0x60  }
0xae: {  	[dreg:$0x2] =	wrdreg s24  }
0xaf: {  	[dreg:$0x3] =	wrdreg s2  }
0xb0: {  	[dreg:$0x4] =	wrdreg $0xA9000  }
0xb1: {  	[dreg:$0x5] =	wrdreg $0x9  }
0xb2: {  	_ =	task.clear_ibuf [dreg:s7], $0x6FFFF;
	_ =	strace $0x9000004C  }
0xb3: {  	s29 =	simm.s32 $0x9;
	_ =	strace $0x8000004E  }
0xb4: {  	_ =	swait.ge [sflag:s29], $0x1  }
0xb5: {  	[sflag:s29] =	ssyncadd.s32 $0xFFFFFFFF  }
0xb6: {  	_ =	strace $0x9000004E  }
0xb7: {  	_ =	sfence  }
0xb8: {  	s30 =	sld [smem:$0x0];
	_ =	sdelay $0x2  }
0xb9: {  	s31 =	sshll.u32 s1, $0xD;
	s1 =	sshrl.u32 s1, $0x2  }
0xba: {  	s3 =	sand.u32 $0x4000, s31;
	s1 =	sadd.s32 s1, s30  }
0xbb: {  	s0 =	sor.u32 s3, s0;
	s1 =	sshll.u32 s1, $0x11  }
0xbc: {  	s0 =	sor.u32 s1, s0  }
0xbd: {  	s0 =	sadd.s32 $0x8F2B, s0  }
0xbe: {  	[sflag:s0] =	ssyncadd.remote.s32 $0x1  }
0xbf: {  	_ =	sfence.sel $0xFFFF  }
0xc0: {  	[dreg:$0x0] =	wrdreg $0xFFFFFFFF;
	(pc) =	sbr.abs _section_cstart, $3  }
0xc1: {  	[dreg:$0x1] =	wrdreg $0xFFFFFFFF  }
0xc2: {  	_ =	task.clear_ibuf [dreg:s7], $0x2FFFF;
	_ =	strace $0x9FFFFFFF  }
0xc3: {  	(tm) =	ssettm $0x7FFFFFFF  }
tec
execute0_lowered:
.L_overlay_start_1:
0x0: {  	(tag) =	ssettag $0x1  }
0x1: {  	s5 =	rddreg [dreg:$0x0]  }
0x2: {  	s1 =	srdreg.scid;
	s11 =	rddreg [dreg:$0x1]  }
0x3: {  	s0 =	stileid.u32;
	s2 =	rddreg [dreg:$0x2]  }
0x4: {  	s3 =	simm.s32 $0x0;
	s17 =	simm.s32 $0x3;
	s18 =	simm.s32 $0x2880  }
0x5: {  	s19 =	simm.s32 $0x2900;
	s20 =	simm.s32 $0x4;
	s21 =	simm.s32 $0x80  }
0x6: {  	s22 =	simm.s32 $0x6900;
	s23 =	simm.s32 $0x1;
	s24 =	simm.s32 $0x2  }
0x7: {  	s6 =	sand.u32 $0x1, s1;
	s25 =	sshll.u32 s0, $0x1;
	s7 =	smul.u32 $0x14000, s0  }
0x8: {  	[smem:$0x7FF] =	sst s3;
	s4 =	sadd.s32 $0xD600, s5;
	s14 =	smul.u32 $0xA0, s0  }
0x9: {  	s29 =	sshll.u32 s0, $0x6;
	s1 =	sor.u32 s6, s25;
	s9 =	smul.u32 $0x140000, s6  }
0xa: {  	s13 =	ssub.s32 $0x2, s6;
	s28 =	smul.u32 $0x50, s6;
	s6 =	sor.u32 $0x1C05, s29  }
0xb: {  	s25 =	simm.s32 $0x0;
	s8 =	smul.u32 $0x500, s1;
	s1 =	rddreg [dreg:$0x3]  }
0xc: {  	_ =	strace $0x8000004D;
	s10 =	sshrl.u32 s7, $0x3;
	s26 =	sshrl.u32 s13, $0x1  }
0xd: {  	s16 =	sadd.s32 s7, s2;
	s10 =	sadd.s32 s10, s5;
	s9 =	sadd.s32 s7, s9  }
0xe: {  	s13 =	ssub.s32 s13, s26;
	s12 =	sadd.s32 s8, s5;
	s9 =	sshrl.u32 s9, $0x3  }
0xf: {  	s8 =	sadd.s32 s11, s8;
	s15 =	sadd.s32 s9, s5;
	s5 =	sadd.s32 $0x43A00, s10  }
0x10: {  	s9 =	sadd.s32 s28, s14;
	s7 =	sadd.s32 $0x2E00, s12;
	s14 =	sshrl.u32 s16, $0x3  }
0x11: {  	s16 =	simm.s32 $0x2800;
	s30 =	sshll.u32 s9, $0x4;
	s9 =	sadd.s32 $0x10, s8  }
0x12: {  	s10 =	sadd.s32 $0x6BA00, s15;
	s15 =	simm.s32 $0x5;
	s31 =	sadd.s32 s30, s11  }
0x13: {  	s11 =	smax.u32 s13, $0x1;
	s12 =	sadd.s32 $0x30, s31;
	s13 =	sadd.s32 $0x20, s31  }
.LBB2_1:
0x14: {  	[spmem:s14], [sflag:s6] =	dma.local [hbm:s5], $0x2800  }
0x15: {  	_ =	swait.ge [sflag:s15], $0x2800  }
0x16: {  	[sflag:s15] =	ssyncset.done $0x0  }
0x17: {  	[sflag:s15] =	ssyncadd.s32 $0xFFFFD800  }
0x18: {  	[tilespmem:s3], [sflag:$0x5] =	stream.linear.gather [hbm4b:s7+s3], $0x2800, $0x38;
	[tilespmem:$0x1E900] =	vst v63  }
0x19: {  	_ =	swait.ge [sflag:s15], $0x2800  }
0x1a: {  	[sflag:s15] =	ssyncset.done $0x0  }
0x1b: {  	[sflag:s15] =	ssyncadd.s32 $0xFFFFD800  }
0x1c: {  	[bflag:$0x0] =	sbarrier.arrive $0xFFFF  }
0x1d: {  	[tilespmem:s16], [sflag:$0x3] =	stream.linear.gather [hbm4b:s8+s3], $0x80, $0x38;
	[tilespmem:$0x1E900] =	vst v63  }
0x1e: {  	_ =	swait.ge [sflag:s17], $0x80  }
0x1f: {  	[sflag:s17] =	ssyncset.done $0x0  }
0x20: {  	[sflag:s17] =	ssyncadd.s32 $0xFFFFFF80  }
0x21: {  	[tilespmem:s18], [sflag:$0x4] =	stream.linear.gather [hbm4b:s9+s3], $0x80, $0x38;
	[tilespmem:$0x1E900] =	vst v63  }
0x22: {  	_ = 	snop  }
0x23: {  	[tilespmem:s19], [sflag:$0x1] =	stream.indirect.gather [hbm4b:s4+s21], $0x80, s16, s21, $0xb8;
	[tilespmem:$0x1E900] =	vst v63  }
0x24: {  	_ =	swait.ge [sflag:s20], $0x80  }
0x25: {  	[sflag:s20] =	ssyncset.done $0x0  }
0x26: {  	[sflag:s20] =	ssyncadd.s32 $0xFFFFFF80  }
0x27: {  	[tilespmem:s22], [sflag:$0x2] =	stream.indirect.gather [hbm4b:s4+s21], $0x80, s18, s21, $0xb8;
	[tilespmem:$0x1E900] =	vst v63  }
0x28: {  	_ =	swait.ge [sflag:s23], $0x4000  }
0x29: {  	[sflag:s23] =	ssyncset.done $0x0  }
0x2a: {  	s26 =	sadd.s32 $0x0, s13;
	[sflag:s23] =	ssyncadd.s32 $0xFFFFC000  }
0x2b: {  	[tilespmem:s16], [sflag:$0x3] =	stream.linear.gather [hbm4b:s26+s3], $0x80, $0x38;
	[tilespmem:$0x1E900] =	vst v63  }
0x2c: {  	s30 =	simm.s32 $0x0  }
0x2d: {  	[spmem:s2] =	stream.indirect.scatter.add.f32 [tilespmem:s19], [sflag:$0x5], $0x80, s30, s21, $0xb8;
	[tilespmem:$0x1E900] =	vst v63  }
0x2e: {  	_ =	swait.ge [sflag:s15], $0x4000  }
0x2f: {  	[sflag:s15] =	ssyncset.done $0x0  }
0x30: {  	[sflag:s15] =	ssyncadd.s32 $0xFFFFC000  }
0x31: {  	_ =	swait.ge [sflag:s17], $0x80  }
0x32: {  	[sflag:s17] =	ssyncset.done $0x0  }
0x33: {  	[sflag:s17] =	ssyncadd.s32 $0xFFFFFF80  }
0x34: {  	[tilespmem:s19], [sflag:$0x1] =	stream.indirect.gather [hbm4b:s4+s21], $0x80, s16, s21, $0xb8;
	[tilespmem:$0x1E900] =	vst v63  }
0x35: {  	_ =	swait.ge [sflag:s24], $0x4000  }
0x36: {  	[sflag:s24] =	ssyncset.done $0x0  }
0x37: {  	s31 =	sadd.s32 $0x0, s12;
	[sflag:s24] =	ssyncadd.s32 $0xFFFFC000  }
0x38: {  	[tilespmem:s18], [sflag:$0x4] =	stream.linear.gather [hbm4b:s31+s3], $0x80, $0x38;
	[tilespmem:$0x1E900] =	vst v63  }
0x39: {  	_ = 	snop  }
0x3a: {  	[spmem:s2] =	stream.indirect.scatter.add.f32 [tilespmem:s22], [sflag:$0x5], $0x80, s21, s21, $0xb8;
	[tilespmem:$0x1E900] =	vst v63  }
0x3b: {  	_ =	swait.ge [sflag:s15], $0x4000  }
0x3c: {  	s28 =	simm.s32 $0x80;
	s26 =	simm.s32 $0x20;
	[sflag:s15] =	ssyncset.done $0x0  }
.LBB2_2:
0x3d: {  	p0 =	sne.s32 s26, $0x4E0;
	[sflag:s15] =	ssyncadd.s32 $0xFFFFC000;
	s28 =	sadd.s32 $0x100, s28  }
0x3e: {  	s29 =	smov.u32 s26;
	s26 =	sadd.s32 $0x20, s26  }
0x3f: {  	_ =	swait.ge [sflag:s20], $0x80  }
0x40: {  	[sflag:s20] =	ssyncset.done $0x0  }
0x41: {  	[sflag:s20] =	ssyncadd.s32 $0xFFFFFF80  }
0x42: {  	[tilespmem:s22], [sflag:$0x2] =	stream.indirect.gather [hbm4b:s4+s21], $0x80, s18, s21, $0xb8;
	[tilespmem:$0x1E900] =	vst v63  }
0x43: {  	_ =	swait.ge [sflag:s23], $0x4000  }
0x44: {  	[sflag:s23] =	ssyncset.done $0x0  }
0x45: {  	s30 =	sadd.s32 s29, s13;
	[sflag:s23] =	ssyncadd.s32 $0xFFFFC000  }
0x46: {  	[tilespmem:s16], [sflag:$0x3] =	stream.linear.gather [hbm4b:s30+s3], $0x80, $0x38;
	[tilespmem:$0x1E900] =	vst v63  }
0x47: {  	s30 =	sadd.s32 $0xFFFFFF80, s28  }
0x48: {  	[spmem:s2] =	stream.indirect.scatter.add.f32 [tilespmem:s19], [sflag:$0x5], $0x80, s30, s21, $0xb8;
	[tilespmem:$0x1E900] =	vst v63  }
0x49: {  	_ =	swait.ge [sflag:s15], $0x4000  }
0x4a: {  	[sflag:s15] =	ssyncset.done $0x0  }
0x4b: {  	[sflag:s15] =	ssyncadd.s32 $0xFFFFC000  }
0x4c: {  	_ =	swait.ge [sflag:s17], $0x80  }
0x4d: {  	[sflag:s17] =	ssyncset.done $0x0  }
0x4e: {  	[sflag:s17] =	ssyncadd.s32 $0xFFFFFF80  }
0x4f: {  	[tilespmem:s19], [sflag:$0x1] =	stream.indirect.gather [hbm4b:s4+s21], $0x80, s16, s21, $0xb8;
	[tilespmem:$0x1E900] =	vst v63  }
0x50: {  	_ =	swait.ge [sflag:s24], $0x4000  }
0x51: {  	[sflag:s24] =	ssyncset.done $0x0  }
0x52: {  	s29 =	sadd.s32 s29, s12;
	[sflag:s24] =	ssyncadd.s32 $0xFFFFC000  }
0x53: {  	[tilespmem:s18], [sflag:$0x4] =	stream.linear.gather [hbm4b:s29+s3], $0x80, $0x38;
	[tilespmem:$0x1E900] =	vst v63  }
.Ltmp0:
0x54: {  	_ = 	snop;
	(pc) =	sbr.rel @p0 .LBB2_2-.Ltmp0, $4  }
0x55: {  	_ = 	snop  }
0x56: {  	[spmem:s2] =	stream.indirect.scatter.add.f32 [tilespmem:s22], [sflag:$0x5], $0x80, s28, s21, $0xb8;
	[tilespmem:$0x1E900] =	vst v63  }
0x57: {  	_ =	swait.ge [sflag:s15], $0x4000  }
0x58: {  	[sflag:s15] =	ssyncset.done $0x0  }
0x59: {  	[sflag:s15] =	ssyncadd.s32 $0xFFFFC000  }
0x5a: {  	_ =	swait.ge [sflag:s23], $0x4000  }
0x5b: {  	[sflag:s23] =	ssyncset.done $0x0  }
0x5c: {  	[sflag:s23] =	ssyncadd.s32 $0xFFFFC000  }
0x5d: {  	_ =	swait.ge [sflag:s20], $0x80  }
0x5e: {  	s25 =	sadd.s32 $0x1, s25;
	[sflag:s20] =	ssyncset.done $0x0  }
0x5f: {  	p0 =	sne.s32 s25, s11;
	[sflag:s20] =	ssyncadd.s32 $0xFFFFFF80  }
.Ltmp1:
0x60: {  	[bflag:$0x0] =	sbarrier.arrive $0xFFFF;
	(pc) =	sbr.rel @p0 .LBB2_1-.Ltmp1, $4  }
0x61: {  	[hbm:s10], [sflag:s6] =	dma.local [spmem:s14], $0x2800  }
0x62: {  	_ =	swait.ge [sflag:s15], $0x2800  }
0x63: {  	[sflag:s15] =	ssyncset.done $0x0  }
0x64: {  	[sflag:s15] =	ssyncadd.s32 $0xFFFFD800  }
0x65: {  	_ =	sfence.sel $0x180000  }
0x66: {  	[bflag:$0x0] =	sbarrier.arrive $0xFFFF  }
0x67: {  	p0 =	sne.s32 s0, $0x0;
	_ =	strace $0x9000004D  }
0x68: {  	s0 =	sadd.s32 @!p0 $0x100000, s1;
	[bflag:$0x2] =	sbarrier.arrive $0xFFFF  }
0x69: {  	[sflag:s0] =	ssyncadd.tile.s32 @!p0 $0x1;
	_ =	shalt  }
.Lfunc_end2:
_tile_overlayer_lowered:
.L_overlay_start_2:
0x6a: {  	(tag) =	ssettag $0x2  }
0x6b: {  	s0 =	rddreg [dreg:$0x0];
	s2 =	stileid.u32  }
0x6c: {  	s1 =	rddreg [dreg:$0x1];
	p0 =	sne.s32 s2, $0x0  }
0x6d: {  	s3 =	rddreg [dreg:$0x2];
	[bflag:$0x3] =	sbarrier.arrive $0xFFFF;
	s2 =	simm.s32 @!p0 $0x1C05  }
0x6e: {  	[timem:s3], [sflag:s2] =	dma.local @!p0 [hbm:s0], s1  }
0x6f: {  	s0 =	simm.s32 @!p0 $0x5  }
0x70: {  	_ =	swait.ge @!p0 [sflag:s0], s1  }
0x71: {  	s1 =	ssub.s32 @!p0 $0x0, s1;
	[sflag:s0] =	ssyncset.done @!p0 $0x0  }
0x72: {  	[sflag:s0] =	ssyncadd.s32 @!p0 s1  }
0x73: {  	[bflag:$0x3] =	sbarrier.arrive $0xFFFF  }
0x74: {  	_ =	shalt  }

// kernel: sage_agg48.3.cloned.1.call-start
scs
__scs_entry_jumppad:
0x0: {  	(pc) =	sbr.rel $0x88, $3  }
0x1: {  	(tag) =	ssettag $0x0;
	lr =	simm.s32 $0x1  }
0x2: {  	[smem:$0x3F96] =	sst lr;
	_ =	strace $0xD0000000  }
0x3: {  	_ = 	snop  }
0x4: {  	_ = 	snop  }
0x5: {  	_ = 	snop  }
0x6: {  	_ = 	snop  }
0x7: {  	_ = 	snop  }
__scs_overlays_trampoline_lowered:
0x8: {  	[smem:$0x3FA5] =	sst s0  }
0x9: {  	[smem:$0x3FA6] =	sst s1  }
0xa: {  	[smem:$0x3FA7] =	sst s2  }
0xb: {  	[smem:$0x3FA8] =	sst s3  }
0xc: {  	[smem:$0x3FA9] =	sst s4  }
0xd: {  	[smem:$0x3FAA] =	sst s5  }
0xe: {  	[smem:$0x3FAB] =	sst s6  }
0xf: {  	[smem:$0x3FAC] =	sst s7  }
0x10: {  	[smem:$0x3FAD] =	sst s8  }
0x11: {  	[smem:$0x3FAE] =	sst s9;
	s0 =	simm.s32 @!p0 $0x0  }
0x12: {  	s1 =	sld [smem:$0x3F94];
	s0 =	simm.s32 @p0 $0x1  }
0x13: {  	[smem:$0x3FAF] =	sst s0;
	s0 =	simm.s32 @!p1 $0x0  }
0x14: {  	s2 =	sld [smem:$0x3F93];
	s0 =	simm.s32 @p1 $0x1  }
0x15: {  	[smem:$0x3FB0] =	sst s0;
	s0 =	simm.s32 @!p2 $0x0  }
0x16: {  	s3 =	sld [smem:$0x3FDB];
	s0 =	simm.s32 @p2 $0x1  }
0x17: {  	s4 =	simm.s32 $0x1BF5;
	[smem:$0x3FB2] =	sst s0  }
0x18: {  	s0 =	sld [smem:$0x3F95];
	_ =	swait.ge [sflag:s4], $0x0  }
0x19: {  	s7 =	sld [smem:$0x3F96]  }
0x1a: {  	s8 =	sadd.s32 $0xFFFFE003, lr  }
0x1b: {  	s9 =	sadd.s32 $0xFFFFFEF7, lr;
	s5 =	simm.s32 $0xFFFFFFFF;
	p2 =	slt.u32 s8, $0xFFFFF086  }
0x1c: {  	p1 =	slt.u32 s9, $0xF7A;
	s5 =	simm.s32 @!p2 $0x0  }
0x1d: {  	s5 =	simm.s32 @p1 $0x1;
	p0 =	seq.s32 s7, s2  }
0x1e: {  	s7 =	smul.u32 @!p0 $0xF7A, s2;
	p2 =	seq.s32 @!p0 s5, $0x0  }
0x1f: {  	s9 =	smul.u32 $0xF7A, s1;
	s8 =	simm.s32 @!p0 $0x1BF5;
	p2 =	por !p2, p0  }
0x20: {  	[sflag:s8] =	ssyncset.s32 @!p0 $0xFFFFF086;
	s6 =	sadd.s32 @!p0 s3, s7;
	s7 =	simm.s32 @!p0 $0x108  }
0x21: {  	s3 =	sadd.s32 s3, s9;
	s6 =	sadd.s32 @!p0 $0x88, s6;
	s7 =	simm.s32 @p2 $0x1082  }
0x22: {  	[simem:s7], [sflag:s8] =	dma.local @!p0 [hbm:s6], $0xF7A  }
0x23: {  	s9 =	sor.u32 $0xD0000000, s2;
	s6 =	simm.s32 $0x108;
	_ =	swait.ge @!p0 [sflag:s8], $0x0  }
0x24: {  	s3 =	sadd.s32 $0x88, s3;
	s6 =	simm.s32 @!p1 $0x1082;
	[sflag:s4] =	ssyncset.s32 $0xFFFFF086  }
0x25: {  	[simem:s6], [sflag:s4] =	dma.local [hbm:s3], $0xF7A  }
0x26: {  	[smem:$0x3F96] =	sst s1;
	(tag) =	ssettag s2;
	_ =	strace s9  }
0x27: {  	s1 =	sld [smem:$0x3FA6]  }
0x28: {  	s2 =	sld [smem:$0x3FA7]  }
0x29: {  	s4 =	sld [smem:$0x3FA9]  }
0x2a: {  	p0 =	seq.s32 s5, $0x0;
	s5 =	sld [smem:$0x3FAA]  }
0x2b: {  	s6 =	sld [smem:$0x3FAB]  }
0x2c: {  	s7 =	sld [smem:$0x3FAC]  }
0x2d: {  	s3 =	simm.s32 $0x108;
	s8 =	sld [smem:$0x3FAD]  }
0x2e: {  	s3 =	simm.s32 @!p0 $0x1082;
	s9 =	sld [smem:$0x3FAE]  }
0x2f: {  	lr =	sadd.s32 s0, s3;
	s0 =	sld [smem:$0x3FA5]  }
0x30: {  	s3 =	sld [smem:$0x3FA8]  }
0x31: {  	[smem:$0x3FB1] =	sst s10  }
0x32: {  	s10 =	sld [smem:$0x3FAF];
	_ =	sdelay $0x3  }
0x33: {  	p0 =	seq.s32 s10, $0x1;
	s10 =	sld [smem:$0x3FB1];
	_ =	sdelay $0x3  }
0x34: {  	[smem:$0x3FB1] =	sst s10  }
0x35: {  	s10 =	sld [smem:$0x3FB0];
	_ =	sdelay $0x3  }
0x36: {  	p1 =	seq.s32 s10, $0x1;
	s10 =	sld [smem:$0x3FB1];
	_ =	sdelay $0x3  }
0x37: {  	[smem:$0x3FB1] =	sst s10  }
0x38: {  	s10 =	sld [smem:$0x3FB2]  }
0x39: {  	_ = 	snop;
	(pc) =	sbr.ind lr, $3  }
0x3a: {  	_ = 	snop  }
0x3b: {  	_ = 	snop  }
0x3c: {  	p2 =	seq.s32 s10, $0x1;
	s10 =	sld [smem:$0x3FB1]  }
0x3d: {  	_ =	shalt  }
0x3e: {  	_ =	shalt  }
0x3f: {  	_ =	shalt  }
0x40: {  	_ =	shalt  }
0x41: {  	_ =	shalt  }
0x42: {  	_ =	shalt  }
0x43: {  	_ =	shalt  }
0x44: {  	_ =	shalt  }
0x45: {  	_ =	shalt  }
0x46: {  	_ =	shalt  }
0x47: {  	_ =	shalt  }
0x48: {  	_ =	shalt  }
0x49: {  	_ =	shalt  }
0x4a: {  	_ =	shalt  }
0x4b: {  	_ =	shalt  }
0x4c: {  	_ =	shalt  }
0x4d: {  	_ =	shalt  }
0x4e: {  	_ =	shalt  }
0x4f: {  	_ =	shalt  }
0x50: {  	_ =	shalt  }
0x51: {  	_ =	shalt  }
0x52: {  	_ =	shalt  }
0x53: {  	_ =	shalt  }
0x54: {  	_ =	shalt  }
0x55: {  	_ =	shalt  }
0x56: {  	_ =	shalt  }
0x57: {  	_ =	shalt  }
0x58: {  	_ =	shalt  }
0x59: {  	_ =	shalt  }
0x5a: {  	_ =	shalt  }
0x5b: {  	_ =	shalt  }
0x5c: {  	_ =	shalt  }
0x5d: {  	_ =	shalt  }
0x5e: {  	_ =	shalt  }
0x5f: {  	_ =	shalt  }
0x60: {  	_ =	shalt  }
0x61: {  	_ =	shalt  }
0x62: {  	_ =	shalt  }
0x63: {  	_ =	shalt  }
0x64: {  	_ =	shalt  }
0x65: {  	_ =	shalt  }
0x66: {  	_ =	shalt  }
0x67: {  	_ =	shalt  }
0x68: {  	_ =	shalt  }
0x69: {  	_ =	shalt  }
0x6a: {  	_ =	shalt  }
0x6b: {  	_ =	shalt  }
0x6c: {  	_ =	shalt  }
0x6d: {  	_ =	shalt  }
0x6e: {  	_ =	shalt  }
0x6f: {  	_ =	shalt  }
0x70: {  	_ =	shalt  }
0x71: {  	_ =	shalt  }
0x72: {  	_ =	shalt  }
0x73: {  	_ =	shalt  }
0x74: {  	_ =	shalt  }
0x75: {  	_ =	shalt  }
0x76: {  	_ =	shalt  }
0x77: {  	_ =	shalt  }
0x78: {  	_ =	shalt  }
0x79: {  	_ =	shalt  }
0x7a: {  	_ =	shalt  }
0x7b: {  	_ =	shalt  }
0x7c: {  	_ =	shalt  }
0x7d: {  	_ =	shalt  }
0x7e: {  	_ =	shalt  }
0x7f: {  	_ =	shalt  }
0x80: {  	_ =	shalt  }
0x81: {  	_ =	shalt  }
0x82: {  	_ =	shalt  }
0x83: {  	_ =	shalt  }
0x84: {  	_ =	shalt  }
0x85: {  	_ =	shalt  }
0x86: {  	_ =	shalt  }
0x87: {  	_ =	shalt  }
.Lfunc_end0:
.L_simem_size_0:
called_computation.3_lowered:
.L_overlay_start_0:
0x88: {  	s2 =	sld [smem:$0x3FD9]  }
0x89: {  	s3 =	sld [smem:$0x3FFE];
	_ =	sdelay $0x1  }
0x8a: {  	s1 =	srdreg.scid  }
0x8b: {  	s0 =	sand.u32 $0x1, s1  }
0x8c: {  	s17 =	sshll.u32 s0, $0xA;
	s2 =	sadd.s32 s3, s2  }
0x8d: {  	s2 =	sadd.s32 s2, s17  }
0x8e: {  	[smem:$0x3FBD] =	sst s2  }
0x8f: {  	_ = 	snop  }
0x90: {  	s2 =	sld [smem:$0x3FD0];
	(tm) =	ssettm $0x1  }
0x91: {  	s18 =	sld [smem:$0x3FFB];
	_ =	sdelay $0x3  }
0x92: {  	_ =	strace s18  }
0x93: {  	s3 =	sld [smem:$0x3FFC];
	_ =	sdelay $0x3  }
0x94: {  	_ =	strace s3  }
0x95: {  	s3 =	sld [smem:$0x3FFD];
	_ =	sdelay $0x3  }
0x96: {  	_ =	strace s3  }
0x97: {  	_ =	strace $0x8FFFFFFF  }
0x98: {  	s19 =	sld [smem:$0x3FDB];
	_ =	sdelay $0x1  }
0x99: {  	s4 =	simm.s32 $_scs_section_size  }
0x9a: {  	s5 =	simm.s32 $_size__tile_overlayer_lowered;
	s6 =	simm.s32 $_tile_overlayer_lowered  }
0x9b: {  	s22 =	simm.s32 $0x1BFF;
	s21 =	sshll.u32 s6, $0x1;
	s3 =	sadd.s32 s4, s19  }
0x9c: {  	s7 =	simm.s32 $0x0;
	s20 =	sshll.u32 s5, $0x1;
	s5 =	sadd.s32 s21, s3  }
0x9d: {  	[timem:s7], [sflag:s22] =	dma.local [hbm:s5], s20  }
0x9e: {  	_ =	swait.ge [sflag:s22], s20  }
0x9f: {  	s4 =	ssub.s32 $0x0, s20;
	[sflag:s22] =	ssyncset.done $0x0  }
0xa0: {  	[sflag:s22] =	ssyncadd.s32 s4;
	_ =	sdelay $0x1  }
0xa1: {  	s23 =	simm.s32 $0x1B8B  }
0xa2: {  	_ =	swait.ge [sflag:s23], $0x1  }
0xa3: {  	[sflag:s23] =	ssyncset.done $0x0  }
0xa4: {  	s25 =	simm.s32 $0x1B8E;
	s24 =	sld [smem:$0x3FFE];
	[sflag:s23] =	ssyncadd.s32 $0xFFFFFFFF  }
0xa5: {  	s26 =	simm.s32 $execute0_lowered;
	[smem:$0x3FD2] =	sst s25  }
0xa6: {  	s5 =	sshll.u32 s26, $0x1;
	_ =	strace $0x8000004F;
	[dreg:$0x1] =	wrdreg $0xFFFFFFFF  }
0xa7: {  	s28 =	simm.s32 $_size_execute0_lowered;
	s3 =	sadd.s32 s3, s5;
	[dreg:$0x0] =	wrdreg $0x0  }
0xa8: {  	s5 =	sshll.u32 s28, $0x1;
	[dreg:$0x2] =	wrdreg s3  }
0xa9: {  	[dreg:$0x3] =	wrdreg s5  }
0xaa: {  	[dreg:$0x4] =	wrdreg $0xC0  }
0xab: {  	_ =	task [dreg:s7], $0x5FFFF  }
0xac: {  	[dreg:$0x1] =	wrdreg $0xFFFFFFFF  }
0xad: {  	[dreg:$0x0] =	wrdreg $0x60  }
0xae: {  	[dreg:$0x2] =	wrdreg s24  }
0xaf: {  	[dreg:$0x3] =	wrdreg s2  }
0xb0: {  	[dreg:$0x4] =	wrdreg $0x81000  }
0xb1: {  	[dreg:$0x5] =	wrdreg $0x9  }
0xb2: {  	_ =	task.clear_ibuf [dreg:s7], $0x6FFFF;
	_ =	strace $0x9000004F  }
0xb3: {  	s29 =	simm.s32 $0x9;
	_ =	strace $0x80000051  }
0xb4: {  	_ =	swait.ge [sflag:s29], $0x1  }
0xb5: {  	[sflag:s29] =	ssyncadd.s32 $0xFFFFFFFF  }
0xb6: {  	_ =	strace $0x90000051  }
0xb7: {  	_ =	sfence  }
0xb8: {  	s30 =	sld [smem:$0x0];
	_ =	sdelay $0x2  }
0xb9: {  	s31 =	sshll.u32 s1, $0xD;
	s1 =	sshrl.u32 s1, $0x2  }
0xba: {  	s3 =	sand.u32 $0x4000, s31;
	s1 =	sadd.s32 s1, s30  }
0xbb: {  	s0 =	sor.u32 s3, s0;
	s1 =	sshll.u32 s1, $0x11  }
0xbc: {  	s0 =	sor.u32 s1, s0  }
0xbd: {  	s0 =	sadd.s32 $0x8F2B, s0  }
0xbe: {  	[sflag:s0] =	ssyncadd.remote.s32 $0x1  }
0xbf: {  	_ =	sfence.sel $0xFFFF  }
0xc0: {  	[dreg:$0x0] =	wrdreg $0xFFFFFFFF;
	(pc) =	sbr.abs _section_cstart, $3  }
0xc1: {  	[dreg:$0x1] =	wrdreg $0xFFFFFFFF  }
0xc2: {  	_ =	task.clear_ibuf [dreg:s7], $0x2FFFF;
	_ =	strace $0x9FFFFFFF  }
0xc3: {  	(tm) =	ssettm $0x7FFFFFFF  }
tec
execute0_lowered:
.L_overlay_start_1:
0x0: {  	(tag) =	ssettag $0x1  }
0x1: {  	s5 =	rddreg [dreg:$0x0]  }
0x2: {  	s1 =	srdreg.scid;
	s8 =	rddreg [dreg:$0x1]  }
0x3: {  	s0 =	stileid.u32;
	s2 =	rddreg [dreg:$0x2];
	s3 =	simm.s32 $0x0  }
0x4: {  	s15 =	simm.s32 $0x5100;
	s16 =	simm.s32 $0x6900;
	s17 =	simm.s32 $0x1  }
0x5: {  	s18 =	simm.s32 $0x2;
	s19 =	simm.s32 $0x0;
	s6 =	sand.u32 $0x1, s1  }
0x6: {  	s29 =	sshll.u32 s0, $0x1;
	s7 =	smul.u32 $0x7800, s0;
	[smem:$0x7FF] =	sst s3  }
0x7: {  	s4 =	sadd.s32 $0xD600, s5;
	s1 =	sor.u32 s6, s29;
	s10 =	smul.u32 $0x78000, s6  }
0x8: {  	s31 =	sshll.u32 s0, $0x6;
	s6 =	ssub.s32 $0x2, s6;
	s9 =	smul.u32 $0x500, s1  }
0x9: {  	s1 =	rddreg [dreg:$0x3];
	_ =	strace $0x80000050;
	s12 =	sshrl.u32 s7, $0x3  }
0xa: {  	s30 =	sshrl.u32 s6, $0x1;
	s14 =	sadd.s32 s7, s2;
	s10 =	sadd.s32 s7, s10  }
0xb: {  	s12 =	sadd.s32 s12, s5;
	s13 =	ssub.s32 s6, s30;
	s6 =	sor.u32 $0x1C03, s31  }
0xc: {  	s11 =	sadd.s32 s9, s5;
	s10 =	sshrl.u32 s10, $0x3;
	s8 =	sadd.s32 s8, s9  }
0xd: {  	s10 =	sadd.s32 s10, s5;
	s5 =	sadd.s32 $0x1C200, s12;
	s7 =	sadd.s32 $0x2E00, s11  }
0xe: {  	s11 =	sshrl.u32 s14, $0x3;
	s12 =	simm.s32 $0x3;
	s14 =	simm.s32 $0x80  }
0xf: {  	s9 =	sadd.s32 $0x2B200, s10;
	s10 =	smax.u32 s13, $0x1;
	s13 =	simm.s32 $0x2800  }
.LBB2_1:
0x10: {  	[spmem:s11], [sflag:s6] =	dma.local [hbm:s5], $0xF00  }
0x11: {  	_ =	swait.ge [sflag:s12], $0xF00  }
0x12: {  	[sflag:s12] =	ssyncset.done $0x0  }
0x13: {  	[sflag:s12] =	ssyncadd.s32 $0xFFFFF100  }
0x14: {  	[tilespmem:s3], [sflag:$0x3] =	stream.linear.gather [hbm4b:s7+s3], $0x2800, $0x38;
	[tilespmem:$0xF900] =	vst v63  }
0x15: {  	_ =	swait.ge [sflag:s12], $0x2800  }
0x16: {  	[sflag:s12] =	ssyncset.done $0x0  }
0x17: {  	[sflag:s12] =	ssyncadd.s32 $0xFFFFD800  }
0x18: {  	[tilespmem:s13], [sflag:$0x3] =	stream.linear.gather [hbm4b:s8+s3], $0x2900, $0x38;
	[tilespmem:$0xF900] =	vst v63  }
0x19: {  	_ =	swait.ge [sflag:s12], $0x2900  }
0x1a: {  	[sflag:s12] =	ssyncset.done $0x0  }
0x1b: {  	[sflag:s12] =	ssyncadd.s32 $0xFFFFD700  }
0x1c: {  	[bflag:$0x0] =	sbarrier.arrive $0xFFFF  }
0x1d: {  	[tilespmem:s15], [sflag:$0x1] =	stream.indirect.gather [hbm4b:s4+s14], $0x30, s13, s14, $0xb8;
	[tilespmem:$0xF900] =	vst v63  }
0x1e: {  	s20 =	simm.s32 $0x2880  }
0x1f: {  	[tilespmem:s16], [sflag:$0x2] =	stream.indirect.gather [hbm4b:s4+s14], $0x30, s20, s14, $0xb8;
	[tilespmem:$0xF900] =	vst v63  }
0x20: {  	_ =	swait.ge [sflag:s17], $0x1800  }
0x21: {  	[sflag:s17] =	ssyncset.done $0x0  }
0x22: {  	s29 =	simm.s32 $0x0;
	[sflag:s17] =	ssyncadd.s32 $0xFFFFE800  }
0x23: {  	[spmem:s2] =	stream.indirect.scatter.add.f32 [tilespmem:s15], [sflag:$0x3], $0x30, s29, s14, $0xb8;
	[tilespmem:$0xF900] =	vst v63  }
0x24: {  	_ =	swait.ge [sflag:s12], $0x1800  }
0x25: {  	[sflag:s12] =	ssyncset.done $0x0  }
0x26: {  	s30 =	simm.s32 $0x2900;
	[sflag:s12] =	ssyncadd.s32 $0xFFFFE800  }
0x27: {  	[tilespmem:s15], [sflag:$0x1] =	stream.indirect.gather [hbm4b:s4+s14], $0x30, s30, s14, $0xb8;
	[tilespmem:$0xF900] =	vst v63  }
0x28: {  	_ =	swait.ge [sflag:s18], $0x1800  }
0x29: {  	[sflag:s18] =	ssyncset.done $0x0  }
0x2a: {  	s31 =	simm.s32 $0x80;
	[sflag:s18] =	ssyncadd.s32 $0xFFFFE800  }
0x2b: {  	[spmem:s2] =	stream.indirect.scatter.add.f32 [tilespmem:s16], [sflag:$0x3], $0x30, s31, s14, $0xb8;
	[tilespmem:$0xF900] =	vst v63  }
0x2c: {  	_ =	swait.ge [sflag:s12], $0x1800  }
0x2d: {  	s21 =	simm.s32 $0x800;
	s20 =	simm.s32 $0x100;
	[sflag:s12] =	ssyncset.done $0x0  }
.LBB2_2:
0x2e: {  	s22 =	sadd.s32 $0x2880, s20  }
0x2f: {  	[sflag:s12] =	ssyncadd.s32 $0xFFFFE800;
	s23 =	smov.u32 s21;
	s24 =	sadd.s32 $0x400, s21  }
0x30: {  	[tilespmem:s16], [sflag:$0x2] =	stream.indirect.gather [hbm4b:s4+s14], $0x30, s22, s14, $0xb8;
	[tilespmem:$0xF900] =	vst v63  }
0x31: {  	p0 =	sne.s32 s21, $0x9C00;
	_ =	swait.ge [sflag:s17], $0x1800  }
0x32: {  	[sflag:s17] =	ssyncset.done $0x0  }
0x33: {  	[sflag:s17] =	ssyncadd.s32 $0xFFFFE800  }
0x34: {  	[spmem:s2] =	stream.indirect.scatter.add.f32 [tilespmem:s15], [sflag:$0x3], $0x30, s20, s14, $0xb8;
	[tilespmem:$0xF900] =	vst v63  }
0x35: {  	_ =	swait.ge [sflag:s12], $0x1800  }
0x36: {  	[sflag:s12] =	ssyncset.done $0x0  }
0x37: {  	s21 =	sadd.s32 $0x2900, s20;
	[sflag:s12] =	ssyncadd.s32 $0xFFFFE800  }
0x38: {  	[tilespmem:s15], [sflag:$0x1] =	stream.indirect.gather [hbm4b:s4+s14], $0x30, s21, s14, $0xb8;
	[tilespmem:$0xF900] =	vst v63  }
0x39: {  	_ =	swait.ge [sflag:s18], $0x1800  }
.Ltmp0:
0x3a: {  	[sflag:s18] =	ssyncset.done $0x0;
	(pc) =	sbr.rel @p0 .LBB2_2-.Ltmp0, $4  }
0x3b: {  	s20 =	sadd.s32 $0x80, s20;
	[sflag:s18] =	ssyncadd.s32 $0xFFFFE800  }
0x3c: {  	[spmem:s2] =	stream.indirect.scatter.add.f32 [tilespmem:s16], [sflag:$0x3], $0x30, s20, s14, $0xb8;
	[tilespmem:$0xF900] =	vst v63  }
0x3d: {  	_ =	swait.ge [sflag:s12], $0x1800  }
0x3e: {  	s21 =	smov.u32 s24;
	s20 =	sshra.s32 s23, $0x2;
	[sflag:s12] =	ssyncset.done $0x0  }
0x3f: {  	s21 =	sadd.s32 $0x2880, s20;
	[sflag:s12] =	ssyncadd.s32 $0xFFFFE800  }
0x40: {  	[tilespmem:s16], [sflag:$0x2] =	stream.indirect.gather [hbm4b:s4+s14], $0x30, s21, s14, $0xb8;
	[tilespmem:$0xF900] =	vst v63  }
0x41: {  	_ =	swait.ge [sflag:s17], $0x1800  }
0x42: {  	[sflag:s17] =	ssyncset.done $0x0  }
0x43: {  	[sflag:s17] =	ssyncadd.s32 $0xFFFFE800  }
0x44: {  	[spmem:s2] =	stream.indirect.scatter.add.f32 [tilespmem:s15], [sflag:$0x3], $0x30, s20, s14, $0xb8;
	[tilespmem:$0xF900] =	vst v63  }
0x45: {  	_ =	swait.ge [sflag:s12], $0x1800  }
0x46: {  	[sflag:s12] =	ssyncset.done $0x0  }
0x47: {  	s30 =	sadd.s32 $0x2900, s20;
	[sflag:s12] =	ssyncadd.s32 $0xFFFFE800  }
0x48: {  	[tilespmem:s15], [sflag:$0x1] =	stream.indirect.gather [hbm4b:s4+s14], $0x30, s30, s14, $0xb8;
	[tilespmem:$0xF900] =	vst v63  }
0x49: {  	_ =	swait.ge [sflag:s18], $0x1800  }
0x4a: {  	[sflag:s18] =	ssyncset.done $0x0  }
0x4b: {  	s31 =	sadd.s32 $0x80, s20;
	[sflag:s18] =	ssyncadd.s32 $0xFFFFE800  }
0x4c: {  	[spmem:s2] =	stream.indirect.scatter.add.f32 [tilespmem:s16], [sflag:$0x3], $0x30, s31, s14, $0xb8;
	[tilespmem:$0xF900] =	vst v63  }
0x4d: {  	_ =	swait.ge [sflag:s12], $0x1800  }
0x4e: {  	[sflag:s12] =	ssyncset.done $0x0  }
0x4f: {  	[sflag:s12] =	ssyncadd.s32 $0xFFFFE800  }
0x50: {  	_ =	swait.ge [sflag:s17], $0x1800  }
0x51: {  	s19 =	sadd.s32 $0x1, s19;
	[sflag:s17] =	ssyncset.done $0x0  }
0x52: {  	p0 =	sne.s32 s19, s10;
	[sflag:s17] =	ssyncadd.s32 $0xFFFFE800  }
.Ltmp1:
0x53: {  	[bflag:$0x0] =	sbarrier.arrive $0xFFFF;
	(pc) =	sbr.rel @p0 .LBB2_1-.Ltmp1, $4  }
0x54: {  	[hbm:s9], [sflag:s6] =	dma.local [spmem:s11], $0xF00  }
0x55: {  	_ =	swait.ge [sflag:s12], $0xF00  }
0x56: {  	[sflag:s12] =	ssyncset.done $0x0  }
0x57: {  	[sflag:s12] =	ssyncadd.s32 $0xFFFFF100  }
0x58: {  	_ =	sfence.sel $0x180000  }
0x59: {  	[bflag:$0x0] =	sbarrier.arrive $0xFFFF  }
0x5a: {  	p0 =	sne.s32 s0, $0x0;
	_ =	strace $0x90000050  }
0x5b: {  	s0 =	sadd.s32 @!p0 $0x100000, s1;
	[bflag:$0x2] =	sbarrier.arrive $0xFFFF  }
0x5c: {  	[sflag:s0] =	ssyncadd.tile.s32 @!p0 $0x1;
	_ =	shalt  }
.Lfunc_end2:
_tile_overlayer_lowered:
.L_overlay_start_2:
0x5d: {  	(tag) =	ssettag $0x2  }
0x5e: {  	s0 =	rddreg [dreg:$0x0];
	s2 =	stileid.u32  }
0x5f: {  	s1 =	rddreg [dreg:$0x1];
	p0 =	sne.s32 s2, $0x0  }
0x60: {  	s3 =	rddreg [dreg:$0x2];
	[bflag:$0x3] =	sbarrier.arrive $0xFFFF;
	s2 =	simm.s32 @!p0 $0x1C03  }
0x61: {  	[timem:s3], [sflag:s2] =	dma.local @!p0 [hbm:s0], s1  }
0x62: {  	s0 =	simm.s32 @!p0 $0x3  }
0x63: {  	_ =	swait.ge @!p0 [sflag:s0], s1  }
0x64: {  	s1 =	ssub.s32 @!p0 $0x0, s1;
	[sflag:s0] =	ssyncset.done @!p0 $0x0  }
0x65: {  	[sflag:s0] =	ssyncadd.s32 @!p0 s1  }
0x66: {  	[bflag:$0x3] =	sbarrier.arrive $0xFFFF  }
0x67: {  	_ =	shalt  }

// kernel: sage_deg.3.cloned.1.call-start
scs
__scs_entry_jumppad:
0x0: {  	(pc) =	sbr.rel $0x88, $3  }
0x1: {  	(tag) =	ssettag $0x0;
	lr =	simm.s32 $0x1  }
0x2: {  	[smem:$0x3F96] =	sst lr;
	_ =	strace $0xD0000000  }
0x3: {  	_ = 	snop  }
0x4: {  	_ = 	snop  }
0x5: {  	_ = 	snop  }
0x6: {  	_ = 	snop  }
0x7: {  	_ = 	snop  }
__scs_overlays_trampoline_lowered:
0x8: {  	[smem:$0x3FA5] =	sst s0  }
0x9: {  	[smem:$0x3FA6] =	sst s1  }
0xa: {  	[smem:$0x3FA7] =	sst s2  }
0xb: {  	[smem:$0x3FA8] =	sst s3  }
0xc: {  	[smem:$0x3FA9] =	sst s4  }
0xd: {  	[smem:$0x3FAA] =	sst s5  }
0xe: {  	[smem:$0x3FAB] =	sst s6  }
0xf: {  	[smem:$0x3FAC] =	sst s7  }
0x10: {  	[smem:$0x3FAD] =	sst s8  }
0x11: {  	[smem:$0x3FAE] =	sst s9;
	s0 =	simm.s32 @!p0 $0x0  }
0x12: {  	s1 =	sld [smem:$0x3F94];
	s0 =	simm.s32 @p0 $0x1  }
0x13: {  	[smem:$0x3FAF] =	sst s0;
	s0 =	simm.s32 @!p1 $0x0  }
0x14: {  	s2 =	sld [smem:$0x3F93];
	s0 =	simm.s32 @p1 $0x1  }
0x15: {  	[smem:$0x3FB0] =	sst s0;
	s0 =	simm.s32 @!p2 $0x0  }
0x16: {  	s3 =	sld [smem:$0x3FDB];
	s0 =	simm.s32 @p2 $0x1  }
0x17: {  	s4 =	simm.s32 $0x1BF5;
	[smem:$0x3FB2] =	sst s0  }
0x18: {  	s0 =	sld [smem:$0x3F95];
	_ =	swait.ge [sflag:s4], $0x0  }
0x19: {  	s7 =	sld [smem:$0x3F96]  }
0x1a: {  	s8 =	sadd.s32 $0xFFFFE003, lr  }
0x1b: {  	s9 =	sadd.s32 $0xFFFFFEF7, lr;
	s5 =	simm.s32 $0xFFFFFFFF;
	p2 =	slt.u32 s8, $0xFFFFF086  }
0x1c: {  	p1 =	slt.u32 s9, $0xF7A;
	s5 =	simm.s32 @!p2 $0x0  }
0x1d: {  	s5 =	simm.s32 @p1 $0x1;
	p0 =	seq.s32 s7, s2  }
0x1e: {  	s7 =	smul.u32 @!p0 $0xF7A, s2;
	p2 =	seq.s32 @!p0 s5, $0x0  }
0x1f: {  	s9 =	smul.u32 $0xF7A, s1;
	s8 =	simm.s32 @!p0 $0x1BF5;
	p2 =	por !p2, p0  }
0x20: {  	[sflag:s8] =	ssyncset.s32 @!p0 $0xFFFFF086;
	s6 =	sadd.s32 @!p0 s3, s7;
	s7 =	simm.s32 @!p0 $0x108  }
0x21: {  	s3 =	sadd.s32 s3, s9;
	s6 =	sadd.s32 @!p0 $0x88, s6;
	s7 =	simm.s32 @p2 $0x1082  }
0x22: {  	[simem:s7], [sflag:s8] =	dma.local @!p0 [hbm:s6], $0xF7A  }
0x23: {  	s9 =	sor.u32 $0xD0000000, s2;
	s6 =	simm.s32 $0x108;
	_ =	swait.ge @!p0 [sflag:s8], $0x0  }
0x24: {  	s3 =	sadd.s32 $0x88, s3;
	s6 =	simm.s32 @!p1 $0x1082;
	[sflag:s4] =	ssyncset.s32 $0xFFFFF086  }
0x25: {  	[simem:s6], [sflag:s4] =	dma.local [hbm:s3], $0xF7A  }
0x26: {  	[smem:$0x3F96] =	sst s1;
	(tag) =	ssettag s2;
	_ =	strace s9  }
0x27: {  	s1 =	sld [smem:$0x3FA6]  }
0x28: {  	s2 =	sld [smem:$0x3FA7]  }
0x29: {  	s4 =	sld [smem:$0x3FA9]  }
0x2a: {  	p0 =	seq.s32 s5, $0x0;
	s5 =	sld [smem:$0x3FAA]  }
0x2b: {  	s6 =	sld [smem:$0x3FAB]  }
0x2c: {  	s7 =	sld [smem:$0x3FAC]  }
0x2d: {  	s3 =	simm.s32 $0x108;
	s8 =	sld [smem:$0x3FAD]  }
0x2e: {  	s3 =	simm.s32 @!p0 $0x1082;
	s9 =	sld [smem:$0x3FAE]  }
0x2f: {  	lr =	sadd.s32 s0, s3;
	s0 =	sld [smem:$0x3FA5]  }
0x30: {  	s3 =	sld [smem:$0x3FA8]  }
0x31: {  	[smem:$0x3FB1] =	sst s10  }
0x32: {  	s10 =	sld [smem:$0x3FAF];
	_ =	sdelay $0x3  }
0x33: {  	p0 =	seq.s32 s10, $0x1;
	s10 =	sld [smem:$0x3FB1];
	_ =	sdelay $0x3  }
0x34: {  	[smem:$0x3FB1] =	sst s10  }
0x35: {  	s10 =	sld [smem:$0x3FB0];
	_ =	sdelay $0x3  }
0x36: {  	p1 =	seq.s32 s10, $0x1;
	s10 =	sld [smem:$0x3FB1];
	_ =	sdelay $0x3  }
0x37: {  	[smem:$0x3FB1] =	sst s10  }
0x38: {  	s10 =	sld [smem:$0x3FB2]  }
0x39: {  	_ = 	snop;
	(pc) =	sbr.ind lr, $3  }
0x3a: {  	_ = 	snop  }
0x3b: {  	_ = 	snop  }
0x3c: {  	p2 =	seq.s32 s10, $0x1;
	s10 =	sld [smem:$0x3FB1]  }
0x3d: {  	_ =	shalt  }
0x3e: {  	_ =	shalt  }
0x3f: {  	_ =	shalt  }
0x40: {  	_ =	shalt  }
0x41: {  	_ =	shalt  }
0x42: {  	_ =	shalt  }
0x43: {  	_ =	shalt  }
0x44: {  	_ =	shalt  }
0x45: {  	_ =	shalt  }
0x46: {  	_ =	shalt  }
0x47: {  	_ =	shalt  }
0x48: {  	_ =	shalt  }
0x49: {  	_ =	shalt  }
0x4a: {  	_ =	shalt  }
0x4b: {  	_ =	shalt  }
0x4c: {  	_ =	shalt  }
0x4d: {  	_ =	shalt  }
0x4e: {  	_ =	shalt  }
0x4f: {  	_ =	shalt  }
0x50: {  	_ =	shalt  }
0x51: {  	_ =	shalt  }
0x52: {  	_ =	shalt  }
0x53: {  	_ =	shalt  }
0x54: {  	_ =	shalt  }
0x55: {  	_ =	shalt  }
0x56: {  	_ =	shalt  }
0x57: {  	_ =	shalt  }
0x58: {  	_ =	shalt  }
0x59: {  	_ =	shalt  }
0x5a: {  	_ =	shalt  }
0x5b: {  	_ =	shalt  }
0x5c: {  	_ =	shalt  }
0x5d: {  	_ =	shalt  }
0x5e: {  	_ =	shalt  }
0x5f: {  	_ =	shalt  }
0x60: {  	_ =	shalt  }
0x61: {  	_ =	shalt  }
0x62: {  	_ =	shalt  }
0x63: {  	_ =	shalt  }
0x64: {  	_ =	shalt  }
0x65: {  	_ =	shalt  }
0x66: {  	_ =	shalt  }
0x67: {  	_ =	shalt  }
0x68: {  	_ =	shalt  }
0x69: {  	_ =	shalt  }
0x6a: {  	_ =	shalt  }
0x6b: {  	_ =	shalt  }
0x6c: {  	_ =	shalt  }
0x6d: {  	_ =	shalt  }
0x6e: {  	_ =	shalt  }
0x6f: {  	_ =	shalt  }
0x70: {  	_ =	shalt  }
0x71: {  	_ =	shalt  }
0x72: {  	_ =	shalt  }
0x73: {  	_ =	shalt  }
0x74: {  	_ =	shalt  }
0x75: {  	_ =	shalt  }
0x76: {  	_ =	shalt  }
0x77: {  	_ =	shalt  }
0x78: {  	_ =	shalt  }
0x79: {  	_ =	shalt  }
0x7a: {  	_ =	shalt  }
0x7b: {  	_ =	shalt  }
0x7c: {  	_ =	shalt  }
0x7d: {  	_ =	shalt  }
0x7e: {  	_ =	shalt  }
0x7f: {  	_ =	shalt  }
0x80: {  	_ =	shalt  }
0x81: {  	_ =	shalt  }
0x82: {  	_ =	shalt  }
0x83: {  	_ =	shalt  }
0x84: {  	_ =	shalt  }
0x85: {  	_ =	shalt  }
0x86: {  	_ =	shalt  }
0x87: {  	_ =	shalt  }
.Lfunc_end0:
.L_simem_size_0:
called_computation_lowered:
.L_overlay_start_0:
0x88: {  	s2 =	sld [smem:$0x3FD9]  }
0x89: {  	s3 =	sld [smem:$0x3FFE];
	_ =	sdelay $0x1  }
0x8a: {  	s1 =	srdreg.scid  }
0x8b: {  	s0 =	sand.u32 $0x1, s1  }
0x8c: {  	s16 =	sshll.u32 s0, $0xA;
	s2 =	sadd.s32 s3, s2  }
0x8d: {  	s2 =	sadd.s32 s2, s16  }
0x8e: {  	[smem:$0x3FBD] =	sst s2  }
0x8f: {  	_ = 	snop  }
0x90: {  	(tm) =	ssettm $0x1  }
0x91: {  	s17 =	sld [smem:$0x3FFB];
	_ =	sdelay $0x3  }
0x92: {  	_ =	strace s17  }
0x93: {  	s2 =	sld [smem:$0x3FFC];
	_ =	sdelay $0x3  }
0x94: {  	_ =	strace s2  }
0x95: {  	s2 =	sld [smem:$0x3FFD];
	_ =	sdelay $0x3  }
0x96: {  	_ =	strace s2  }
0x97: {  	_ =	strace $0x8FFFFFFF  }
0x98: {  	s18 =	sld [smem:$0x3FDB];
	_ =	sdelay $0x1  }
0x99: {  	s19 =	simm.s32 $_scs_section_size  }
0x9a: {  	s4 =	simm.s32 $_size__tile_overlayer_lowered;
	s5 =	simm.s32 $_tile_overlayer_lowered  }
0x9b: {  	s22 =	simm.s32 $0x1BFF;
	s21 =	sshll.u32 s5, $0x1;
	s2 =	sadd.s32 s19, s18  }
0x9c: {  	s6 =	simm.s32 $0x0;
	s20 =	sshll.u32 s4, $0x1;
	s4 =	sadd.s32 s21, s2  }
0x9d: {  	[timem:s6], [sflag:s22] =	dma.local [hbm:s4], s20  }
0x9e: {  	_ =	swait.ge [sflag:s22], s20  }
0x9f: {  	s3 =	ssub.s32 $0x0, s20;
	[sflag:s22] =	ssyncset.done $0x0  }
0xa0: {  	[sflag:s22] =	ssyncadd.s32 s3;
	_ =	sdelay $0x1  }
0xa1: {  	s23 =	simm.s32 $0x1B8B  }
0xa2: {  	_ =	swait.ge [sflag:s23], $0x1  }
0xa3: {  	[sflag:s23] =	ssyncset.done $0x0  }
0xa4: {  	s25 =	simm.s32 $0x1B8E;
	s24 =	sld [smem:$0x3FFE];
	[sflag:s23] =	ssyncadd.s32 $0xFFFFFFFF  }
0xa5: {  	s26 =	simm.s32 $execute0_lowered;
	[smem:$0x3FD2] =	sst s25  }
0xa6: {  	s4 =	sshll.u32 s26, $0x1;
	_ =	strace $0x80000046;
	[dreg:$0x1] =	wrdreg $0xFFFFFFFF  }
0xa7: {  	s28 =	simm.s32 $_size_execute0_lowered;
	s2 =	sadd.s32 s2, s4;
	[dreg:$0x0] =	wrdreg $0x0  }
0xa8: {  	s4 =	sshll.u32 s28, $0x1;
	[dreg:$0x2] =	wrdreg s2  }
0xa9: {  	[dreg:$0x3] =	wrdreg s4  }
0xaa: {  	[dreg:$0x4] =	wrdreg $0xC0  }
0xab: {  	_ =	task [dreg:s6], $0x5FFFF  }
0xac: {  	[dreg:$0x1] =	wrdreg $0xFFFFFFFF  }
0xad: {  	[dreg:$0x0] =	wrdreg $0x60  }
0xae: {  	[dreg:$0x2] =	wrdreg s24  }
0xaf: {  	[dreg:$0x3] =	wrdreg $0x30000  }
0xb0: {  	[dreg:$0x4] =	wrdreg $0x9  }
0xb1: {  	_ =	task.clear_ibuf [dreg:s6], $0x5FFFF;
	_ =	strace $0x90000046  }
0xb2: {  	s29 =	simm.s32 $0x9;
	_ =	strace $0x80000048  }
0xb3: {  	_ =	swait.ge [sflag:s29], $0x1  }
0xb4: {  	[sflag:s29] =	ssyncadd.s32 $0xFFFFFFFF  }
0xb5: {  	_ =	strace $0x90000048  }
0xb6: {  	_ =	sfence  }
0xb7: {  	s30 =	sld [smem:$0x0];
	_ =	sdelay $0x2  }
0xb8: {  	s31 =	sshll.u32 s1, $0xD;
	s1 =	sshrl.u32 s1, $0x2  }
0xb9: {  	s3 =	sand.u32 $0x4000, s31;
	s1 =	sadd.s32 s1, s30  }
0xba: {  	s0 =	sor.u32 s3, s0;
	s1 =	sshll.u32 s1, $0x11  }
0xbb: {  	s0 =	sor.u32 s1, s0  }
0xbc: {  	s0 =	sadd.s32 $0x8F2B, s0  }
0xbd: {  	[sflag:s0] =	ssyncadd.remote.s32 $0x1  }
0xbe: {  	_ =	sfence.sel $0xFFFF  }
0xbf: {  	[dreg:$0x0] =	wrdreg $0xFFFFFFFF;
	(pc) =	sbr.abs _section_cstart, $3  }
0xc0: {  	[dreg:$0x1] =	wrdreg $0xFFFFFFFF  }
0xc1: {  	_ =	task.clear_ibuf [dreg:s6], $0x2FFFF;
	_ =	strace $0x9FFFFFFF  }
0xc2: {  	(tm) =	ssettm $0x7FFFFFFF  }
0xc3: {  	_ =	shalt  }
tec
execute0_lowered:
.L_overlay_start_1:
0x0: {  	(tag) =	ssettag $0x1  }
0x1: {  	s1 =	srdreg.scid  }
0x2: {  	s0 =	stileid.u32;
	s5 =	rddreg [dreg:$0x0]  }
0x3: {  	s2 =	rddreg [dreg:$0x1];
	s3 =	simm.s32 $0x0;
	s12 =	simm.s32 $0x2800  }
0x4: {  	s13 =	simm.s32 $0x80;
	s14 =	simm.s32 $0x0;
	s4 =	sand.u32 $0x1, s1  }
0x5: {  	s28 =	sshll.u32 s0, $0x1;
	s7 =	smul.u32 $0x2800, s0;
	[smem:$0x7FF] =	sst s3  }
0x6: {  	s31 =	sshll.u32 s0, $0x6;
	s1 =	sor.u32 s4, s28;
	s8 =	smul.u32 $0x28000, s4  }
0x7: {  	s10 =	ssub.s32 $0x2, s4;
	s4 =	sadd.s32 $0x12600, s5;
	s6 =	smul.u32 $0x500, s1  }
0x8: {  	s1 =	rddreg [dreg:$0x2];
	_ =	strace $0x80000047;
	s29 =	sshrl.u32 s7, $0x3  }
0x9: {  	s11 =	sshrl.u32 s10, $0x1;
	s30 =	sadd.s32 s7, s2;
	s8 =	sadd.s32 s7, s8  }
0xa: {  	s10 =	ssub.s32 s10, s11;
	s11 =	simm.s32 $0x1;
	s8 =	sshrl.u32 s8, $0x3  }
0xb: {  	s9 =	sadd.s32 s6, s5;
	s6 =	sadd.s32 s29, s5;
	s8 =	sadd.s32 s8, s5  }
0xc: {  	s5 =	sadd.s32 $0xD600, s6;
	s6 =	sor.u32 $0x1C01, s31;
	s7 =	sadd.s32 $0x2E00, s9  }
0xd: {  	s9 =	smax.u32 s10, $0x1;
	s10 =	sshrl.u32 s30, $0x3;
	s8 =	sadd.s32 $0x12800, s8  }
.LBB2_1:
0xe: {  	[spmem:s10], [sflag:s6] =	dma.local [hbm:s5], $0x500  }
0xf: {  	_ =	swait.ge [sflag:s11], $0x500  }
0x10: {  	[sflag:s11] =	ssyncset.done $0x0  }
0x11: {  	[sflag:s11] =	ssyncadd.s32 $0xFFFFFB00  }
0x12: {  	[tilespmem:s12], [sflag:$0x1] =	stream.linear.gather [hbm4b:s4+s3], $0x800, $0x38;
	[tilespmem:$0x5800] =	vst v63  }
0x13: {  	_ =	swait.ge [sflag:s11], $0x800  }
0x14: {  	[sflag:s11] =	ssyncset.done $0x0  }
0x15: {  	[sflag:s11] =	ssyncadd.s32 $0xFFFFF800  }
0x16: {  	[tilespmem:s3], [sflag:$0x1] =	stream.linear.gather [hbm4b:s7+s3], $0x2800, $0x38;
	[tilespmem:$0x5800] =	vst v63  }
0x17: {  	_ =	swait.ge [sflag:s11], $0x2800  }
0x18: {  	[sflag:s11] =	ssyncset.done $0x0  }
0x19: {  	[sflag:s11] =	ssyncadd.s32 $0xFFFFD800  }
0x1a: {  	s15 =	simm.s32 $0x0;
	[bflag:$0x0] =	sbarrier.arrive $0xFFFF  }
0x1b: {  	[spmem:s2] =	stream.indirect.scatter.add.f32 [tilespmem:s12], [sflag:$0x1], $0x10, s15, s13, $0xb8;
	[tilespmem:$0x5800] =	vst v63  }
0x1c: {  	_ =	swait.ge [sflag:s11], $0x800  }
0x1d: {  	s15 =	simm.s32 $0x200;
	[sflag:s11] =	ssyncset.done $0x0  }
.LBB2_2:
0x1e: {  	s16 =	sshra.s32 s15, $0x2;
	[sflag:s11] =	ssyncadd.s32 $0xFFFFF800;
	p0 =	sne.s32 s15, $0x9E00  }
0x1f: {  	[spmem:s2] =	stream.indirect.scatter.add.f32 [tilespmem:s12], [sflag:$0x1], $0x10, s16, s13, $0xb8;
	[tilespmem:$0x5800] =	vst v63  }
.Ltmp0:
0x20: {  	_ = 	snop;
	(pc) =	sbr.rel @p0 .LBB2_2-.Ltmp0, $4  }
0x21: {  	_ = 	snop  }
0x22: {  	s15 =	sadd.s32 $0x200, s15  }
0x23: {  	_ =	swait.ge [sflag:s11], $0x800  }
0x24: {  	[sflag:s11] =	ssyncset.done $0x0  }
0x25: {  	s14 =	sadd.s32 $0x1, s14  }
0x26: {  	[sflag:s11] =	ssyncadd.s32 $0xFFFFF800;
	p0 =	sne.s32 s14, s9  }
.Ltmp1:
0x27: {  	[bflag:$0x0] =	sbarrier.arrive $0xFFFF;
	(pc) =	sbr.rel @p0 .LBB2_1-.Ltmp1, $4  }
0x28: {  	[hbm:s8], [sflag:s6] =	dma.local [spmem:s10], $0x500  }
0x29: {  	_ =	swait.ge [sflag:s11], $0x500  }
0x2a: {  	[sflag:s11] =	ssyncset.done $0x0  }
0x2b: {  	[sflag:s11] =	ssyncadd.s32 $0xFFFFFB00  }
0x2c: {  	_ =	sfence.sel $0x180000  }
0x2d: {  	[bflag:$0x0] =	sbarrier.arrive $0xFFFF  }
0x2e: {  	p0 =	sne.s32 s0, $0x0;
	_ =	strace $0x90000047  }
0x2f: {  	s0 =	sadd.s32 @!p0 $0x100000, s1;
	[bflag:$0x2] =	sbarrier.arrive $0xFFFF  }
0x30: {  	[sflag:s0] =	ssyncadd.tile.s32 @!p0 $0x1;
	_ =	shalt  }
.Lfunc_end2:
_tile_overlayer_lowered:
.L_overlay_start_2:
0x31: {  	(tag) =	ssettag $0x2  }
0x32: {  	s0 =	rddreg [dreg:$0x0];
	s2 =	stileid.u32  }
0x33: {  	s1 =	rddreg [dreg:$0x1];
	p0 =	sne.s32 s2, $0x0  }
0x34: {  	s3 =	rddreg [dreg:$0x2];
	[bflag:$0x3] =	sbarrier.arrive $0xFFFF;
	s2 =	simm.s32 @!p0 $0x1C01  }
0x35: {  	[timem:s3], [sflag:s2] =	dma.local @!p0 [hbm:s0], s1  }
0x36: {  	s0 =	simm.s32 @!p0 $0x1  }
0x37: {  	_ =	swait.ge @!p0 [sflag:s0], s1  }
0x38: {  	s1 =	ssub.s32 @!p0 $0x0, s1;
	[sflag:s0] =	ssyncset.done @!p0 $0x0  }
0x39: {  	[sflag:s0] =	ssyncadd.s32 @!p0 s1  }
0x3a: {  	[bflag:$0x3] =	sbarrier.arrive $0xFFFF  }
0x3b: {  	_ =	shalt  }

</sc_bundles>
